<compile_context>
chip_gen: v7x
topology: tpu7x:2x2x1
jax: 0.10.2.dev20260603
libtpu: 0.0.44.dev20260713+nightly
codegen_flags: <defaults>
</compile_context>

<pallas_src>
import jax
import jax.numpy as jnp
from jax import lax
from jax.experimental import pallas as pl
from jax.experimental.pallas import tpu as pltpu
from jax.experimental.pallas import tpu_sc as plsc

N = 320000
D = 128
S = 10000
NC = 2
NS = 16
HALF = D // NC
BLK = 128
NBLK = N // BLK
KB = 1
CH = KB * BLK
NBUF = 8
PREF = 6
NCHUNK = NBLK // KB
CH_PER_TILE = NCHUNK // NS
CH_REM = NCHUNK - NS * CH_PER_TILE
IDS_ROWS = (CH_PER_TILE + 1) * KB
ROWS_OUT = S // NS


def _sc_body(x_hbm, b2d_hbm, z_hbm, out_hbm, acc, data_v, ids_all, dsem,
             isem, ssem):
    c = lax.axis_index("c")
    s = lax.axis_index("s")
    col0 = c * HALF

    first = s * CH_PER_TILE + jnp.minimum(s, CH_REM)
    n_ch = jnp.where(s < CH_REM, CH_PER_TILE + 1, CH_PER_TILE)
    blk0 = first * KB

    def issue(g, b):
        pltpu.async_copy(
            x_hbm.at[pl.ds(g * CH, CH), pl.ds(col0, HALF)],
            data_v.at[b], dsem.at[b])

    for p in range(PREF):
        issue(first + p, p)
    ids_start = jnp.minimum(blk0, NBLK - IDS_ROWS)
    off = blk0 - ids_start
    pltpu.async_copy(b2d_hbm.at[pl.ds(ids_start, IDS_ROWS)], ids_all, isem)

    r0 = s * ROWS_OUT
    pltpu.sync_copy(z_hbm.at[pl.ds(r0, ROWS_OUT)], acc.at[pl.ds(r0, ROWS_OUT)])
    pltpu.make_async_copy(
        b2d_hbm.at[pl.ds(0, IDS_ROWS)], ids_all, isem).wait()
    plsc.subcore_barrier()

    def scatter(b, i):
        for j in range(KB):
            pltpu.async_copy(
                data_v.at[b, pl.ds(j * BLK, BLK)],
                acc.at[ids_all.at[off + i * KB + j]], ssem.at[b], add=True)

    def drain_scatters(b):
        for j in range(KB):
            pltpu.make_async_copy(
                data_v.at[b, pl.ds(j * BLK, BLK)],
                acc.at[ids_all.at[0]], ssem.at[b]).wait()

    def body(i, carry):
        b = lax.rem(i, NBUF)
        nxt = lax.rem(i + PREF, NBUF)
        pltpu.make_async_copy(
            x_hbm.at[pl.ds(0, CH), pl.ds(col0, HALF)],
            data_v.at[b], dsem.at[b]).wait()

        @pl.when(i >= NBUF - PREF)
        def _():
            drain_scatters(nxt)

        @pl.when(i + PREF < n_ch)
        def _():
            issue(first + i + PREF, nxt)

        scatter(b, i)
        return carry

    lax.fori_loop(0, n_ch, body, 0)
    for t in range(NBUF - PREF):
        drain_scatters(lax.rem(n_ch - 1 - t + NBUF, NBUF))
    plsc.subcore_barrier()

    pltpu.sync_copy(
        acc.at[pl.ds(r0, ROWS_OUT)],
        out_hbm.at[pl.ds(r0, ROWS_OUT), pl.ds(col0, HALF)])


def kernel(x, batch):
    batch = batch.astype(jnp.int32)
    b2d = batch.reshape(NBLK, BLK)
    zeros = jnp.zeros((S, HALF), jnp.float32)
    mesh = plsc.VectorSubcoreMesh(core_axis_name="c", subcore_axis_name="s")
    f = pl.kernel(
        _sc_body,
        out_type=jax.ShapeDtypeStruct((S, D), jnp.float32),
        mesh=mesh,
        scratch_types=[
            pltpu.VMEM_SHARED((S, HALF), jnp.float32),
            pltpu.VMEM((NBUF, CH, HALF), jnp.float32),
            pltpu.VMEM((IDS_ROWS, BLK), jnp.int32),
            pltpu.SemaphoreType.DMA((NBUF,)),
            pltpu.SemaphoreType.DMA,
            pltpu.SemaphoreType.DMA((NBUF,)),
        ],
        compiler_params=pltpu.CompilerParams(use_tc_tiling_on_sc=False),
    )
    return f(x, b2d, zeros)

# --- scband reference (transcript-rebuilt; emitter-appended) ---
"""Pipeline reference for scband-output-model-37795712205497 (READ-ONLY COPY).

The authoritative reference and input builder live on the scoring server;
editing this copy changes nothing except your own understanding.
"""

import jax, jax.numpy as jnp
import numpy as np

NUM_SEGMENTS = 10000

def setup_inputs(seed: int = 0) -> dict:
    key = jax.random.key(seed)
    k1, k2 = jax.random.split(key)
    x = jax.random.normal(k1, (320000, 128), dtype=jnp.float32)
    batch = jnp.sort(jax.random.randint(k2, (320000,), 0, NUM_SEGMENTS, dtype=jnp.int64))
    return {"x": x, "batch": batch}

def reference(x, batch):
    # OutputModel.reduce: scatter(x, batch, dim=0, reduce='sum')
    out = jax.ops.segment_sum(x, batch, num_segments=NUM_SEGMENTS)
    # post_reduce is identity
    return out

if __name__ == "__main__":
    import jax
    _d = setup_inputs()
    print(jax.jit(kernel)(*tuple(_d.values())))

</pallas_src>

<mosaic_0001>
#map = affine_map<(d0, d1) -> (0, 0)>
module attributes {stable_mosaic.version = 14 : i64} {
  func.func @_sc_body(%arg0: i32, %arg1: i32, %arg2: memref<320000x128xf32, #tpu.memory_space<hbm>>, %arg3: memref<2500x128xi32, #tpu.memory_space<hbm>>, %arg4: memref<10000x64xf32, #tpu.memory_space<hbm>>, %arg5: memref<10000x128xf32, #tpu.memory_space<hbm>>, %arg6: memref<10000x64xf32, #tpu.memory_space<vmem_shared>>, %arg7: memref<8x128x64xf32, #tpu.memory_space<vmem>>, %arg8: memref<157x128xi32, #tpu.memory_space<vmem>>, %arg9: memref<8x!tpu.dma_semaphore, #tpu.memory_space<semaphore_mem>>, %arg10: memref<!tpu.dma_semaphore, #tpu.memory_space<semaphore_mem>>, %arg11: memref<8x!tpu.dma_semaphore, #tpu.memory_space<semaphore_mem>>) attributes {dimension_semantics = [#tpu.dimension_semantics<core_parallel>, #tpu.dimension_semantics<subcore_parallel>], iteration_bounds = array<i64: 2, 16>, scalar_prefetch = 0 : i64, scratch_operands = 6 : i64, tpu.core_type = #tpu.core_type<sc_vector_subcore>, window_params = [{transform_indices = #map}, {transform_indices = #map}, {transform_indices = #map}, {transform_indices = #map}]} {
    %mul3A = arith.constant 64 : i32
    %mul3A_0 = arith.muli %arg0, %mul3A : i32
    %mul3A_1 = arith.constant 156 : i32
    %mul3A_2 = arith.muli %arg1, %mul3A_1 : i32
    %min3A = arith.constant 4 : i32
    %min3A_3 = arith.minsi %arg1, %min3A : i32
    %add3A = arith.addi %mul3A_2, %min3A_3 : i32
    %lt3A = arith.constant 4 : i32
    %lt3A_4 = arith.cmpi slt, %arg1, %lt3A : i32
    %jit3A = arith.constant 157 : i32
    %jit3A_5 = arith.constant 156 : i32
    %select_n3A = arith.select %lt3A_4, %jit3A, %jit3A_5 : i32
    %mul3A_6 = arith.constant 1 : i32
    %mul3A_7 = arith.muli %add3A, %mul3A_6 : i32
    %add3A_8 = arith.constant 0 : i32
    %add3A_9 = arith.addi %add3A, %add3A_8 : i32
    %mul3A_10 = arith.constant 128 : i32
    %mul3A_11 = arith.muli %add3A_9, %mul3A_10 : i32
    %dma_start3A = arith.constant 0 : i32
    %dma_start3A_12 = arith.constant 0 : i32
    %dma_start3A_13 = arith.constant 0 : i32
    %dma_start3A_14 = arith.constant 0 : i32
    %dma_start3A_15 = tpu.memref_slice %arg7[%dma_start3A, %dma_start3A_13, %dma_start3A_14] : memref<8x128x64xf32, #tpu.memory_space<vmem>> -> memref<1x128x64xf32, #tpu.memory_space<vmem>>
    %dma_start3A_16 = tpu.memref_squeeze %dma_start3A_15 : memref<1x128x64xf32, #tpu.memory_space<vmem>> -> memref<128x64xf32, #tpu.memory_space<vmem>>
    %dma_start3A_17 = tpu.memref_slice %arg2[%mul3A_11, %mul3A_0] : memref<320000x128xf32, #tpu.memory_space<hbm>> -> memref<128x64xf32, #tpu.memory_space<hbm>>
    %dma_start3A_18 = tpu.memref_slice %arg9[%dma_start3A_12] : memref<8x!tpu.dma_semaphore, #tpu.memory_space<semaphore_mem>> -> memref<1x!tpu.dma_semaphore, #tpu.memory_space<semaphore_mem>>
    %dma_start3A_19 = tpu.memref_squeeze %dma_start3A_18 : memref<1x!tpu.dma_semaphore, #tpu.memory_space<semaphore_mem>> -> memref<!tpu.dma_semaphore, #tpu.memory_space<semaphore_mem>>
    %dma_start3A_20 = arith.constant 0 : i32
    %dma_start3A_21 = arith.constant 0 : i32
    %dma_start3A_22 = tpu.memref_slice %arg7[%dma_start3A, %dma_start3A_20, %dma_start3A_21] : memref<8x128x64xf32, #tpu.memory_space<vmem>> -> memref<1x128x64xf32, #tpu.memory_space<vmem>>
    %dma_start3A_23 = tpu.memref_squeeze %dma_start3A_22 : memref<1x128x64xf32, #tpu.memory_space<vmem>> -> memref<128x64xf32, #tpu.memory_space<vmem>>
    %dma_start3A_24 = tpu.memref_slice %arg2[%mul3A_11, %mul3A_0] : memref<320000x128xf32, #tpu.memory_space<hbm>> -> memref<128x64xf32, #tpu.memory_space<hbm>>
    tpu.enqueue_dma source(%dma_start3A_24 : memref<128x64xf32, #tpu.memory_space<hbm>>) target(%dma_start3A_23 : memref<128x64xf32, #tpu.memory_space<vmem>>) target_semaphore(%dma_start3A_19 : memref<!tpu.dma_semaphore, #tpu.memory_space<semaphore_mem>>)
    %add3A_25 = arith.constant 1 : i32
    %add3A_26 = arith.addi %add3A, %add3A_25 : i32
    %mul3A_27 = arith.constant 128 : i32
    %mul3A_28 = arith.muli %add3A_26, %mul3A_27 : i32
    %dma_start3A_29 = arith.constant 1 : i32
    %dma_start3A_30 = arith.constant 1 : i32
    %dma_start3A_31 = arith.constant 0 : i32
    %dma_start3A_32 = arith.constant 0 : i32
    %dma_start3A_33 = tpu.memref_slice %arg7[%dma_start3A_29, %dma_start3A_31, %dma_start3A_32] : memref<8x128x64xf32, #tpu.memory_space<vmem>> -> memref<1x128x64xf32, #tpu.memory_space<vmem>>
    %dma_start3A_34 = tpu.memref_squeeze %dma_start3A_33 : memref<1x128x64xf32, #tpu.memory_space<vmem>> -> memref<128x64xf32, #tpu.memory_space<vmem>>
    %dma_start3A_35 = tpu.memref_slice %arg2[%mul3A_28, %mul3A_0] : memref<320000x128xf32, #tpu.memory_space<hbm>> -> memref<128x64xf32, #tpu.memory_space<hbm>>
    %dma_start3A_36 = tpu.memref_slice %arg9[%dma_start3A_30] : memref<8x!tpu.dma_semaphore, #tpu.memory_space<semaphore_mem>> -> memref<1x!tpu.dma_semaphore, #tpu.memory_space<semaphore_mem>>
    %dma_start3A_37 = tpu.memref_squeeze %dma_start3A_36 : memref<1x!tpu.dma_semaphore, #tpu.memory_space<semaphore_mem>> -> memref<!tpu.dma_semaphore, #tpu.memory_space<semaphore_mem>>
    %dma_start3A_38 = arith.constant 0 : i32
    %dma_start3A_39 = arith.constant 0 : i32
    %dma_start3A_40 = tpu.memref_slice %arg7[%dma_start3A_29, %dma_start3A_38, %dma_start3A_39] : memref<8x128x64xf32, #tpu.memory_space<vmem>> -> memref<1x128x64xf32, #tpu.memory_space<vmem>>
    %dma_start3A_41 = tpu.memref_squeeze %dma_start3A_40 : memref<1x128x64xf32, #tpu.memory_space<vmem>> -> memref<128x64xf32, #tpu.memory_space<vmem>>
    %dma_start3A_42 = tpu.memref_slice %arg2[%mul3A_28, %mul3A_0] : memref<320000x128xf32, #tpu.memory_space<hbm>> -> memref<128x64xf32, #tpu.memory_space<hbm>>
    tpu.enqueue_dma source(%dma_start3A_42 : memref<128x64xf32, #tpu.memory_space<hbm>>) target(%dma_start3A_41 : memref<128x64xf32, #tpu.memory_space<vmem>>) target_semaphore(%dma_start3A_37 : memref<!tpu.dma_semaphore, #tpu.memory_space<semaphore_mem>>)
    %add3A_43 = arith.constant 2 : i32
    %add3A_44 = arith.addi %add3A, %add3A_43 : i32
    %mul3A_45 = arith.constant 128 : i32
    %mul3A_46 = arith.muli %add3A_44, %mul3A_45 : i32
    %dma_start3A_47 = arith.constant 2 : i32
    %dma_start3A_48 = arith.constant 2 : i32
    %dma_start3A_49 = arith.constant 0 : i32
    %dma_start3A_50 = arith.constant 0 : i32
    %dma_start3A_51 = tpu.memref_slice %arg7[%dma_start3A_47, %dma_start3A_49, %dma_start3A_50] : memref<8x128x64xf32, #tpu.memory_space<vmem>> -> memref<1x128x64xf32, #tpu.memory_space<vmem>>
    %dma_start3A_52 = tpu.memref_squeeze %dma_start3A_51 : memref<1x128x64xf32, #tpu.memory_space<vmem>> -> memref<128x64xf32, #tpu.memory_space<vmem>>
    %dma_start3A_53 = tpu.memref_slice %arg2[%mul3A_46, %mul3A_0] : memref<320000x128xf32, #tpu.memory_space<hbm>> -> memref<128x64xf32, #tpu.memory_space<hbm>>
    %dma_start3A_54 = tpu.memref_slice %arg9[%dma_start3A_48] : memref<8x!tpu.dma_semaphore, #tpu.memory_space<semaphore_mem>> -> memref<1x!tpu.dma_semaphore, #tpu.memory_space<semaphore_mem>>
    %dma_start3A_55 = tpu.memref_squeeze %dma_start3A_54 : memref<1x!tpu.dma_semaphore, #tpu.memory_space<semaphore_mem>> -> memref<!tpu.dma_semaphore, #tpu.memory_space<semaphore_mem>>
    %dma_start3A_56 = arith.constant 0 : i32
    %dma_start3A_57 = arith.constant 0 : i32
    %dma_start3A_58 = tpu.memref_slice %arg7[%dma_start3A_47, %dma_start3A_56, %dma_start3A_57] : memref<8x128x64xf32, #tpu.memory_space<vmem>> -> memref<1x128x64xf32, #tpu.memory_space<vmem>>
    %dma_start3A_59 = tpu.memref_squeeze %dma_start3A_58 : memref<1x128x64xf32, #tpu.memory_space<vmem>> -> memref<128x64xf32, #tpu.memory_space<vmem>>
    %dma_start3A_60 = tpu.memref_slice %arg2[%mul3A_46, %mul3A_0] : memref<320000x128xf32, #tpu.memory_space<hbm>> -> memref<128x64xf32, #tpu.memory_space<hbm>>
    tpu.enqueue_dma source(%dma_start3A_60 : memref<128x64xf32, #tpu.memory_space<hbm>>) target(%dma_start3A_59 : memref<128x64xf32, #tpu.memory_space<vmem>>) target_semaphore(%dma_start3A_55 : memref<!tpu.dma_semaphore, #tpu.memory_space<semaphore_mem>>)
    %add3A_61 = arith.constant 3 : i32
    %add3A_62 = arith.addi %add3A, %add3A_61 : i32
    %mul3A_63 = arith.constant 128 : i32
    %mul3A_64 = arith.muli %add3A_62, %mul3A_63 : i32
    %dma_start3A_65 = arith.constant 3 : i32
    %dma_start3A_66 = arith.constant 3 : i32
    %dma_start3A_67 = arith.constant 0 : i32
    %dma_start3A_68 = arith.constant 0 : i32
    %dma_start3A_69 = tpu.memref_slice %arg7[%dma_start3A_65, %dma_start3A_67, %dma_start3A_68] : memref<8x128x64xf32, #tpu.memory_space<vmem>> -> memref<1x128x64xf32, #tpu.memory_space<vmem>>
    %dma_start3A_70 = tpu.memref_squeeze %dma_start3A_69 : memref<1x128x64xf32, #tpu.memory_space<vmem>> -> memref<128x64xf32, #tpu.memory_space<vmem>>
    %dma_start3A_71 = tpu.memref_slice %arg2[%mul3A_64, %mul3A_0] : memref<320000x128xf32, #tpu.memory_space<hbm>> -> memref<128x64xf32, #tpu.memory_space<hbm>>
    %dma_start3A_72 = tpu.memref_slice %arg9[%dma_start3A_66] : memref<8x!tpu.dma_semaphore, #tpu.memory_space<semaphore_mem>> -> memref<1x!tpu.dma_semaphore, #tpu.memory_space<semaphore_mem>>
    %dma_start3A_73 = tpu.memref_squeeze %dma_start3A_72 : memref<1x!tpu.dma_semaphore, #tpu.memory_space<semaphore_mem>> -> memref<!tpu.dma_semaphore, #tpu.memory_space<semaphore_mem>>
    %dma_start3A_74 = arith.constant 0 : i32
    %dma_start3A_75 = arith.constant 0 : i32
    %dma_start3A_76 = tpu.memref_slice %arg7[%dma_start3A_65, %dma_start3A_74, %dma_start3A_75] : memref<8x128x64xf32, #tpu.memory_space<vmem>> -> memref<1x128x64xf32, #tpu.memory_space<vmem>>
    %dma_start3A_77 = tpu.memref_squeeze %dma_start3A_76 : memref<1x128x64xf32, #tpu.memory_space<vmem>> -> memref<128x64xf32, #tpu.memory_space<vmem>>
    %dma_start3A_78 = tpu.memref_slice %arg2[%mul3A_64, %mul3A_0] : memref<320000x128xf32, #tpu.memory_space<hbm>> -> memref<128x64xf32, #tpu.memory_space<hbm>>
    tpu.enqueue_dma source(%dma_start3A_78 : memref<128x64xf32, #tpu.memory_space<hbm>>) target(%dma_start3A_77 : memref<128x64xf32, #tpu.memory_space<vmem>>) target_semaphore(%dma_start3A_73 : memref<!tpu.dma_semaphore, #tpu.memory_space<semaphore_mem>>)
    %add3A_79 = arith.constant 4 : i32
    %add3A_80 = arith.addi %add3A, %add3A_79 : i32
    %mul3A_81 = arith.constant 128 : i32
    %mul3A_82 = arith.muli %add3A_80, %mul3A_81 : i32
    %dma_start3A_83 = arith.constant 4 : i32
    %dma_start3A_84 = arith.constant 4 : i32
    %dma_start3A_85 = arith.constant 0 : i32
    %dma_start3A_86 = arith.constant 0 : i32
    %dma_start3A_87 = tpu.memref_slice %arg7[%dma_start3A_83, %dma_start3A_85, %dma_start3A_86] : memref<8x128x64xf32, #tpu.memory_space<vmem>> -> memref<1x128x64xf32, #tpu.memory_space<vmem>>
    %dma_start3A_88 = tpu.memref_squeeze %dma_start3A_87 : memref<1x128x64xf32, #tpu.memory_space<vmem>> -> memref<128x64xf32, #tpu.memory_space<vmem>>
    %dma_start3A_89 = tpu.memref_slice %arg2[%mul3A_82, %mul3A_0] : memref<320000x128xf32, #tpu.memory_space<hbm>> -> memref<128x64xf32, #tpu.memory_space<hbm>>
    %dma_start3A_90 = tpu.memref_slice %arg9[%dma_start3A_84] : memref<8x!tpu.dma_semaphore, #tpu.memory_space<semaphore_mem>> -> memref<1x!tpu.dma_semaphore, #tpu.memory_space<semaphore_mem>>
    %dma_start3A_91 = tpu.memref_squeeze %dma_start3A_90 : memref<1x!tpu.dma_semaphore, #tpu.memory_space<semaphore_mem>> -> memref<!tpu.dma_semaphore, #tpu.memory_space<semaphore_mem>>
    %dma_start3A_92 = arith.constant 0 : i32
    %dma_start3A_93 = arith.constant 0 : i32
    %dma_start3A_94 = tpu.memref_slice %arg7[%dma_start3A_83, %dma_start3A_92, %dma_start3A_93] : memref<8x128x64xf32, #tpu.memory_space<vmem>> -> memref<1x128x64xf32, #tpu.memory_space<vmem>>
    %dma_start3A_95 = tpu.memref_squeeze %dma_start3A_94 : memref<1x128x64xf32, #tpu.memory_space<vmem>> -> memref<128x64xf32, #tpu.memory_space<vmem>>
    %dma_start3A_96 = tpu.memref_slice %arg2[%mul3A_82, %mul3A_0] : memref<320000x128xf32, #tpu.memory_space<hbm>> -> memref<128x64xf32, #tpu.memory_space<hbm>>
    tpu.enqueue_dma source(%dma_start3A_96 : memref<128x64xf32, #tpu.memory_space<hbm>>) target(%dma_start3A_95 : memref<128x64xf32, #tpu.memory_space<vmem>>) target_semaphore(%dma_start3A_91 : memref<!tpu.dma_semaphore, #tpu.memory_space<semaphore_mem>>)
    %add3A_97 = arith.constant 5 : i32
    %add3A_98 = arith.addi %add3A, %add3A_97 : i32
    %mul3A_99 = arith.constant 128 : i32
    %mul3A_100 = arith.muli %add3A_98, %mul3A_99 : i32
    %dma_start3A_101 = arith.constant 5 : i32
    %dma_start3A_102 = arith.constant 5 : i32
    %dma_start3A_103 = arith.constant 0 : i32
    %dma_start3A_104 = arith.constant 0 : i32
    %dma_start3A_105 = tpu.memref_slice %arg7[%dma_start3A_101, %dma_start3A_103, %dma_start3A_104] : memref<8x128x64xf32, #tpu.memory_space<vmem>> -> memref<1x128x64xf32, #tpu.memory_space<vmem>>
    %dma_start3A_106 = tpu.memref_squeeze %dma_start3A_105 : memref<1x128x64xf32, #tpu.memory_space<vmem>> -> memref<128x64xf32, #tpu.memory_space<vmem>>
    %dma_start3A_107 = tpu.memref_slice %arg2[%mul3A_100, %mul3A_0] : memref<320000x128xf32, #tpu.memory_space<hbm>> -> memref<128x64xf32, #tpu.memory_space<hbm>>
    %dma_start3A_108 = tpu.memref_slice %arg9[%dma_start3A_102] : memref<8x!tpu.dma_semaphore, #tpu.memory_space<semaphore_mem>> -> memref<1x!tpu.dma_semaphore, #tpu.memory_space<semaphore_mem>>
    %dma_start3A_109 = tpu.memref_squeeze %dma_start3A_108 : memref<1x!tpu.dma_semaphore, #tpu.memory_space<semaphore_mem>> -> memref<!tpu.dma_semaphore, #tpu.memory_space<semaphore_mem>>
    %dma_start3A_110 = arith.constant 0 : i32
    %dma_start3A_111 = arith.constant 0 : i32
    %dma_start3A_112 = tpu.memref_slice %arg7[%dma_start3A_101, %dma_start3A_110, %dma_start3A_111] : memref<8x128x64xf32, #tpu.memory_space<vmem>> -> memref<1x128x64xf32, #tpu.memory_space<vmem>>
    %dma_start3A_113 = tpu.memref_squeeze %dma_start3A_112 : memref<1x128x64xf32, #tpu.memory_space<vmem>> -> memref<128x64xf32, #tpu.memory_space<vmem>>
    %dma_start3A_114 = tpu.memref_slice %arg2[%mul3A_100, %mul3A_0] : memref<320000x128xf32, #tpu.memory_space<hbm>> -> memref<128x64xf32, #tpu.memory_space<hbm>>
    tpu.enqueue_dma source(%dma_start3A_114 : memref<128x64xf32, #tpu.memory_space<hbm>>) target(%dma_start3A_113 : memref<128x64xf32, #tpu.memory_space<vmem>>) target_semaphore(%dma_start3A_109 : memref<!tpu.dma_semaphore, #tpu.memory_space<semaphore_mem>>)
    %min3A_115 = arith.constant 2343 : i32
    %min3A_116 = arith.minsi %mul3A_7, %min3A_115 : i32
    %sub3A = arith.subi %mul3A_7, %min3A_116 : i32
    %dma_start3A_117 = arith.constant 0 : i32
    %dma_start3A_118 = tpu.memref_slice %arg3[%min3A_116, %dma_start3A_117] : memref<2500x128xi32, #tpu.memory_space<hbm>> -> memref<157x128xi32, #tpu.memory_space<hbm>>
    %dma_start3A_119 = arith.constant 0 : i32
    %dma_start3A_120 = tpu.memref_slice %arg3[%min3A_116, %dma_start3A_119] : memref<2500x128xi32, #tpu.memory_space<hbm>> -> memref<157x128xi32, #tpu.memory_space<hbm>>
    tpu.enqueue_dma source(%dma_start3A_120 : memref<157x128xi32, #tpu.memory_space<hbm>>) target(%arg8 : memref<157x128xi32, #tpu.memory_space<vmem>>) target_semaphore(%arg10 : memref<!tpu.dma_semaphore, #tpu.memory_space<semaphore_mem>>)
    %mul3A_121 = arith.constant 625 : i32
    %mul3A_122 = arith.muli %arg1, %mul3A_121 : i32
    "tpu.region"() ({
      %run_scoped3A = tpu.sem_alloc : memref<!tpu.dma_semaphore, #tpu.memory_space<semaphore_mem>>
      %dma_start3A_179 = arith.constant 0 : i32
      %dma_start3A_180 = tpu.memref_slice %arg6[%mul3A_122, %dma_start3A_179] : memref<10000x64xf32, #tpu.memory_space<vmem_shared>> -> memref<625x64xf32, #tpu.memory_space<vmem_shared>>
      %dma_start3A_181 = arith.constant 0 : i32
      %dma_start3A_182 = tpu.memref_slice %arg4[%mul3A_122, %dma_start3A_181] : memref<10000x64xf32, #tpu.memory_space<hbm>> -> memref<625x64xf32, #tpu.memory_space<hbm>>
      tpu.enqueue_dma source(%dma_start3A_182 : memref<625x64xf32, #tpu.memory_space<hbm>>) target(%dma_start3A_180 : memref<625x64xf32, #tpu.memory_space<vmem_shared>>) target_semaphore(%run_scoped3A : memref<!tpu.dma_semaphore, #tpu.memory_space<semaphore_mem>>)
      %dma_wait3A_183 = arith.constant 0 : i32
      %dma_wait3A_184 = tpu.memref_slice %arg6[%mul3A_122, %dma_wait3A_183] : memref<10000x64xf32, #tpu.memory_space<vmem_shared>> -> memref<625x64xf32, #tpu.memory_space<vmem_shared>>
      %dma_wait3A_185 = arith.constant 0 : i32
      %dma_wait3A_186 = tpu.memref_slice %arg4[%mul3A_122, %dma_wait3A_185] : memref<10000x64xf32, #tpu.memory_space<hbm>> -> memref<625x64xf32, #tpu.memory_space<hbm>>
      tpu.wait_dma2 semaphore(%run_scoped3A : memref<!tpu.dma_semaphore, #tpu.memory_space<semaphore_mem>>) src(%dma_wait3A_186 : memref<625x64xf32, #tpu.memory_space<hbm>>) dst(%dma_wait3A_184 : memref<625x64xf32, #tpu.memory_space<vmem_shared>>)
      tpu.yield
    }) : () -> ()
    %dma_wait3A = arith.constant 0 : i32
    %dma_wait3A_123 = arith.constant 0 : i32
    %dma_wait3A_124 = tpu.memref_slice %arg3[%dma_wait3A, %dma_wait3A_123] : memref<2500x128xi32, #tpu.memory_space<hbm>> -> memref<157x128xi32, #tpu.memory_space<hbm>>
    %dma_wait3A_125 = arith.constant 0 : i32
    %dma_wait3A_126 = arith.constant 0 : i32
    %dma_wait3A_127 = tpu.memref_slice %arg3[%dma_wait3A_125, %dma_wait3A_126] : memref<2500x128xi32, #tpu.memory_space<hbm>> -> memref<157x128xi32, #tpu.memory_space<hbm>>
    tpu.wait_dma2 semaphore(%arg10 : memref<!tpu.dma_semaphore, #tpu.memory_space<semaphore_mem>>) src(%dma_wait3A_127 : memref<157x128xi32, #tpu.memory_space<hbm>>) dst(%arg8 : memref<157x128xi32, #tpu.memory_space<vmem>>)
    %barrier3A = arith.constant 0 : index
    tpu.barrier barrier_id(%barrier3A)
    %while3A = arith.constant 0 : i32
    %while3A_128 = arith.constant 0 : i32
    %while3A_129 = arith.subi %select_n3A, %while3A_128 : i32
    %while3A_130 = arith.addi %while3A_128, %while3A_129 : i32
    %while3A_131 = arith.constant 1 : i32
    %while3A_132 = arith.divsi %while3A_129, %while3A_131 : i32
    %while3A_133 = arith.muli %while3A_132, %while3A_131 : i32
    %while3A_134 = arith.addi %while3A_128, %while3A_133 : i32
    %while3A_135 = arith.constant 1 : i32
    scf.for %while3A_179 = %while3A_128 to %while3A_134 step %while3A_135  : i32 {
      %rem3A_180 = arith.constant 8 : i32
      %rem3A_181 = arith.remsi %while3A_179, %rem3A_180 : i32
      %add3A_182 = arith.constant 6 : i32
      %add3A_183 = arith.addi %while3A_179, %add3A_182 : i32
      %rem3A_184 = arith.constant 8 : i32
      %rem3A_185 = arith.remsi %add3A_183, %rem3A_184 : i32
      %dma_wait3A_186 = arith.constant 0 : i32
      %dma_wait3A_187 = arith.constant 0 : i32
      %dma_wait3A_188 = tpu.memref_slice %arg7[%rem3A_181, %dma_wait3A_186, %dma_wait3A_187] : memref<8x128x64xf32, #tpu.memory_space<vmem>> -> memref<1x128x64xf32, #tpu.memory_space<vmem>>
      %dma_wait3A_189 = tpu.memref_squeeze %dma_wait3A_188 : memref<1x128x64xf32, #tpu.memory_space<vmem>> -> memref<128x64xf32, #tpu.memory_space<vmem>>
      %dma_wait3A_190 = arith.constant 0 : i32
      %dma_wait3A_191 = tpu.memref_slice %arg2[%dma_wait3A_190, %mul3A_0] : memref<320000x128xf32, #tpu.memory_space<hbm>> -> memref<128x64xf32, #tpu.memory_space<hbm>>
      %dma_wait3A_192 = tpu.memref_slice %arg9[%rem3A_181] : memref<8x!tpu.dma_semaphore, #tpu.memory_space<semaphore_mem>> -> memref<1x!tpu.dma_semaphore, #tpu.memory_space<semaphore_mem>>
      %dma_wait3A_193 = tpu.memref_squeeze %dma_wait3A_192 : memref<1x!tpu.dma_semaphore, #tpu.memory_space<semaphore_mem>> -> memref<!tpu.dma_semaphore, #tpu.memory_space<semaphore_mem>>
      %dma_wait3A_194 = arith.constant 0 : i32
      %dma_wait3A_195 = arith.constant 0 : i32
      %dma_wait3A_196 = tpu.memref_slice %arg7[%rem3A_181, %dma_wait3A_194, %dma_wait3A_195] : memref<8x128x64xf32, #tpu.memory_space<vmem>> -> memref<1x128x64xf32, #tpu.memory_space<vmem>>
      %dma_wait3A_197 = tpu.memref_squeeze %dma_wait3A_196 : memref<1x128x64xf32, #tpu.memory_space<vmem>> -> memref<128x64xf32, #tpu.memory_space<vmem>>
      %dma_wait3A_198 = arith.constant 0 : i32
      %dma_wait3A_199 = tpu.memref_slice %arg2[%dma_wait3A_198, %mul3A_0] : memref<320000x128xf32, #tpu.memory_space<hbm>> -> memref<128x64xf32, #tpu.memory_space<hbm>>
      tpu.wait_dma2 semaphore(%dma_wait3A_193 : memref<!tpu.dma_semaphore, #tpu.memory_space<semaphore_mem>>) src(%dma_wait3A_199 : memref<128x64xf32, #tpu.memory_space<hbm>>) dst(%dma_wait3A_197 : memref<128x64xf32, #tpu.memory_space<vmem>>)
      %ge3A = arith.constant 2 : i32
      %ge3A_200 = arith.cmpi sge, %while3A_179, %ge3A : i32
      %convert_element_type3A = arith.extui %ge3A_200 : i1 to i32
      %cond3A = arith.constant 0 : i32
      %cond3A_201 = arith.cmpi ne, %convert_element_type3A, %cond3A : i32
      scf.if %cond3A_201 {
        %dma_wait3A_225 = arith.constant 0 : i32
        %dma_wait3A_226 = arith.constant 0 : i32
        %dma_wait3A_227 = arith.constant 0 : i32
        %dma_wait3A_228 = tpu.memref_slice %arg7[%rem3A_185, %dma_wait3A_226, %dma_wait3A_227] : memref<8x128x64xf32, #tpu.memory_space<vmem>> -> memref<1x128x64xf32, #tpu.memory_space<vmem>>
        %dma_wait3A_229 = tpu.memref_squeeze %dma_wait3A_228 : memref<1x128x64xf32, #tpu.memory_space<vmem>> -> memref<128x64xf32, #tpu.memory_space<vmem>>
        %dma_wait3A_230 = arith.constant 0 : i32
        %dma_wait3A_231 = tpu.memref_slice %arg8[%dma_wait3A_225, %dma_wait3A_230] : memref<157x128xi32, #tpu.memory_space<vmem>> -> memref<1x128xi32, #tpu.memory_space<vmem>>
        %dma_wait3A_232 = tpu.memref_squeeze %dma_wait3A_231 : memref<1x128xi32, #tpu.memory_space<vmem>> -> memref<128xi32, #tpu.memory_space<vmem>>
        %dma_wait3A_233 = arith.constant 0 : i32
        %dma_wait3A_234 = arith.constant 0 : i32
        %dma_wait3A_235 = tpu.memref_slice %arg6[%dma_wait3A_233, %dma_wait3A_234] : memref<10000x64xf32, #tpu.memory_space<vmem_shared>> -> memref<10000x64xf32, #tpu.memory_space<vmem_shared>>
        %dma_wait3A_236 = tpu.memref_slice %arg11[%rem3A_185] : memref<8x!tpu.dma_semaphore, #tpu.memory_space<semaphore_mem>> -> memref<1x!tpu.dma_semaphore, #tpu.memory_space<semaphore_mem>>
        %dma_wait3A_237 = tpu.memref_squeeze %dma_wait3A_236 : memref<1x!tpu.dma_semaphore, #tpu.memory_space<semaphore_mem>> -> memref<!tpu.dma_semaphore, #tpu.memory_space<semaphore_mem>>
        tpu.wait_indirect_dma semaphore(%dma_wait3A_237 : memref<!tpu.dma_semaphore, #tpu.memory_space<semaphore_mem>>) src(%dma_wait3A_229 : memref<128x64xf32, #tpu.memory_space<vmem>>) dst(%dma_wait3A_235 : memref<10000x64xf32, #tpu.memory_space<vmem_shared>>)
      } else {
      }
      %add3A_202 = arith.constant 6 : i32
      %add3A_203 = arith.addi %while3A_179, %add3A_202 : i32
      %lt3A_204 = arith.cmpi slt, %add3A_203, %select_n3A : i32
      %convert_element_type3A_205 = arith.extui %lt3A_204 : i1 to i32
      %cond3A_206 = arith.constant 0 : i32
      %cond3A_207 = arith.cmpi ne, %convert_element_type3A_205, %cond3A_206 : i32
      scf.if %cond3A_207 {
        %add3A_225 = arith.addi %add3A, %while3A_179 : i32
        %add3A_226 = arith.constant 6 : i32
        %add3A_227 = arith.addi %add3A_225, %add3A_226 : i32
        %mul3A_228 = arith.constant 128 : i32
        %mul3A_229 = arith.muli %add3A_227, %mul3A_228 : i32
        %dma_start3A_230 = arith.constant 0 : i32
        %dma_start3A_231 = arith.constant 0 : i32
        %dma_start3A_232 = tpu.memref_slice %arg7[%rem3A_185, %dma_start3A_230, %dma_start3A_231] : memref<8x128x64xf32, #tpu.memory_space<vmem>> -> memref<1x128x64xf32, #tpu.memory_space<vmem>>
        %dma_start3A_233 = tpu.memref_squeeze %dma_start3A_232 : memref<1x128x64xf32, #tpu.memory_space<vmem>> -> memref<128x64xf32, #tpu.memory_space<vmem>>
        %dma_start3A_234 = tpu.memref_slice %arg2[%mul3A_229, %mul3A_0] : memref<320000x128xf32, #tpu.memory_space<hbm>> -> memref<128x64xf32, #tpu.memory_space<hbm>>
        %dma_start3A_235 = tpu.memref_slice %arg9[%rem3A_185] : memref<8x!tpu.dma_semaphore, #tpu.memory_space<semaphore_mem>> -> memref<1x!tpu.dma_semaphore, #tpu.memory_space<semaphore_mem>>
        %dma_start3A_236 = tpu.memref_squeeze %dma_start3A_235 : memref<1x!tpu.dma_semaphore, #tpu.memory_space<semaphore_mem>> -> memref<!tpu.dma_semaphore, #tpu.memory_space<semaphore_mem>>
        %dma_start3A_237 = arith.constant 0 : i32
        %dma_start3A_238 = arith.constant 0 : i32
        %dma_start3A_239 = tpu.memref_slice %arg7[%rem3A_185, %dma_start3A_237, %dma_start3A_238] : memref<8x128x64xf32, #tpu.memory_space<vmem>> -> memref<1x128x64xf32, #tpu.memory_space<vmem>>
        %dma_start3A_240 = tpu.memref_squeeze %dma_start3A_239 : memref<1x128x64xf32, #tpu.memory_space<vmem>> -> memref<128x64xf32, #tpu.memory_space<vmem>>
        %dma_start3A_241 = tpu.memref_slice %arg2[%mul3A_229, %mul3A_0] : memref<320000x128xf32, #tpu.memory_space<hbm>> -> memref<128x64xf32, #tpu.memory_space<hbm>>
        tpu.enqueue_dma source(%dma_start3A_241 : memref<128x64xf32, #tpu.memory_space<hbm>>) target(%dma_start3A_240 : memref<128x64xf32, #tpu.memory_space<vmem>>) target_semaphore(%dma_start3A_236 : memref<!tpu.dma_semaphore, #tpu.memory_space<semaphore_mem>>)
      } else {
      }
      %mul3A_208 = arith.constant 1 : i32
      %mul3A_209 = arith.muli %while3A_179, %mul3A_208 : i32
      %add3A_210 = arith.addi %sub3A, %mul3A_209 : i32
      %add3A_211 = arith.constant 0 : i32
      %add3A_212 = arith.addi %add3A_210, %add3A_211 : i32
      %dma_start3A_213 = arith.constant 0 : i32
      %dma_start3A_214 = arith.constant 0 : i32
      %dma_start3A_215 = tpu.memref_slice %arg7[%rem3A_181, %dma_start3A_213, %dma_start3A_214] : memref<8x128x64xf32, #tpu.memory_space<vmem>> -> memref<1x128x64xf32, #tpu.memory_space<vmem>>
      %dma_start3A_216 = tpu.memref_squeeze %dma_start3A_215 : memref<1x128x64xf32, #tpu.memory_space<vmem>> -> memref<128x64xf32, #tpu.memory_space<vmem>>
      %dma_start3A_217 = arith.constant 0 : i32
      %dma_start3A_218 = tpu.memref_slice %arg8[%add3A_212, %dma_start3A_217] : memref<157x128xi32, #tpu.memory_space<vmem>> -> memref<1x128xi32, #tpu.memory_space<vmem>>
      %dma_start3A_219 = tpu.memref_squeeze %dma_start3A_218 : memref<1x128xi32, #tpu.memory_space<vmem>> -> memref<128xi32, #tpu.memory_space<vmem>>
      %dma_start3A_220 = arith.constant 0 : i32
      %dma_start3A_221 = arith.constant 0 : i32
      %dma_start3A_222 = tpu.memref_slice %arg6[%dma_start3A_220, %dma_start3A_221] : memref<10000x64xf32, #tpu.memory_space<vmem_shared>> -> memref<10000x64xf32, #tpu.memory_space<vmem_shared>>
      %dma_start3A_223 = tpu.memref_slice %arg11[%rem3A_181] : memref<8x!tpu.dma_semaphore, #tpu.memory_space<semaphore_mem>> -> memref<1x!tpu.dma_semaphore, #tpu.memory_space<semaphore_mem>>
      %dma_start3A_224 = tpu.memref_squeeze %dma_start3A_223 : memref<1x!tpu.dma_semaphore, #tpu.memory_space<semaphore_mem>> -> memref<!tpu.dma_semaphore, #tpu.memory_space<semaphore_mem>>
      tpu.enqueue_indirect_dma source(%dma_start3A_216 : memref<128x64xf32, #tpu.memory_space<vmem>>) target(%dma_start3A_222 : memref<10000x64xf32, #tpu.memory_space<vmem_shared>>) offsets(%dma_start3A_219 : memref<128xi32, #tpu.memory_space<vmem>>) semaphore(%dma_start3A_224 : memref<!tpu.dma_semaphore, #tpu.memory_space<semaphore_mem>>) {add = true}
    }
    %while3A_136 = arith.constant 1 : i32
    scf.for %while3A_179 = %while3A_134 to %while3A_130 step %while3A_136  : i32 {
      %rem3A_180 = arith.constant 8 : i32
      %rem3A_181 = arith.remsi %while3A_179, %rem3A_180 : i32
      %add3A_182 = arith.constant 6 : i32
      %add3A_183 = arith.addi %while3A_179, %add3A_182 : i32
      %rem3A_184 = arith.constant 8 : i32
      %rem3A_185 = arith.remsi %add3A_183, %rem3A_184 : i32
      %dma_wait3A_186 = arith.constant 0 : i32
      %dma_wait3A_187 = arith.constant 0 : i32
      %dma_wait3A_188 = tpu.memref_slice %arg7[%rem3A_181, %dma_wait3A_186, %dma_wait3A_187] : memref<8x128x64xf32, #tpu.memory_space<vmem>> -> memref<1x128x64xf32, #tpu.memory_space<vmem>>
      %dma_wait3A_189 = tpu.memref_squeeze %dma_wait3A_188 : memref<1x128x64xf32, #tpu.memory_space<vmem>> -> memref<128x64xf32, #tpu.memory_space<vmem>>
      %dma_wait3A_190 = arith.constant 0 : i32
      %dma_wait3A_191 = tpu.memref_slice %arg2[%dma_wait3A_190, %mul3A_0] : memref<320000x128xf32, #tpu.memory_space<hbm>> -> memref<128x64xf32, #tpu.memory_space<hbm>>
      %dma_wait3A_192 = tpu.memref_slice %arg9[%rem3A_181] : memref<8x!tpu.dma_semaphore, #tpu.memory_space<semaphore_mem>> -> memref<1x!tpu.dma_semaphore, #tpu.memory_space<semaphore_mem>>
      %dma_wait3A_193 = tpu.memref_squeeze %dma_wait3A_192 : memref<1x!tpu.dma_semaphore, #tpu.memory_space<semaphore_mem>> -> memref<!tpu.dma_semaphore, #tpu.memory_space<semaphore_mem>>
      %dma_wait3A_194 = arith.constant 0 : i32
      %dma_wait3A_195 = arith.constant 0 : i32
      %dma_wait3A_196 = tpu.memref_slice %arg7[%rem3A_181, %dma_wait3A_194, %dma_wait3A_195] : memref<8x128x64xf32, #tpu.memory_space<vmem>> -> memref<1x128x64xf32, #tpu.memory_space<vmem>>
      %dma_wait3A_197 = tpu.memref_squeeze %dma_wait3A_196 : memref<1x128x64xf32, #tpu.memory_space<vmem>> -> memref<128x64xf32, #tpu.memory_space<vmem>>
      %dma_wait3A_198 = arith.constant 0 : i32
      %dma_wait3A_199 = tpu.memref_slice %arg2[%dma_wait3A_198, %mul3A_0] : memref<320000x128xf32, #tpu.memory_space<hbm>> -> memref<128x64xf32, #tpu.memory_space<hbm>>
      tpu.wait_dma2 semaphore(%dma_wait3A_193 : memref<!tpu.dma_semaphore, #tpu.memory_space<semaphore_mem>>) src(%dma_wait3A_199 : memref<128x64xf32, #tpu.memory_space<hbm>>) dst(%dma_wait3A_197 : memref<128x64xf32, #tpu.memory_space<vmem>>)
      %ge3A = arith.constant 2 : i32
      %ge3A_200 = arith.cmpi sge, %while3A_179, %ge3A : i32
      %convert_element_type3A = arith.extui %ge3A_200 : i1 to i32
      %cond3A = arith.constant 0 : i32
      %cond3A_201 = arith.cmpi ne, %convert_element_type3A, %cond3A : i32
      scf.if %cond3A_201 {
        %dma_wait3A_225 = arith.constant 0 : i32
        %dma_wait3A_226 = arith.constant 0 : i32
        %dma_wait3A_227 = arith.constant 0 : i32
        %dma_wait3A_228 = tpu.memref_slice %arg7[%rem3A_185, %dma_wait3A_226, %dma_wait3A_227] : memref<8x128x64xf32, #tpu.memory_space<vmem>> -> memref<1x128x64xf32, #tpu.memory_space<vmem>>
        %dma_wait3A_229 = tpu.memref_squeeze %dma_wait3A_228 : memref<1x128x64xf32, #tpu.memory_space<vmem>> -> memref<128x64xf32, #tpu.memory_space<vmem>>
        %dma_wait3A_230 = arith.constant 0 : i32
        %dma_wait3A_231 = tpu.memref_slice %arg8[%dma_wait3A_225, %dma_wait3A_230] : memref<157x128xi32, #tpu.memory_space<vmem>> -> memref<1x128xi32, #tpu.memory_space<vmem>>
        %dma_wait3A_232 = tpu.memref_squeeze %dma_wait3A_231 : memref<1x128xi32, #tpu.memory_space<vmem>> -> memref<128xi32, #tpu.memory_space<vmem>>
        %dma_wait3A_233 = arith.constant 0 : i32
        %dma_wait3A_234 = arith.constant 0 : i32
        %dma_wait3A_235 = tpu.memref_slice %arg6[%dma_wait3A_233, %dma_wait3A_234] : memref<10000x64xf32, #tpu.memory_space<vmem_shared>> -> memref<10000x64xf32, #tpu.memory_space<vmem_shared>>
        %dma_wait3A_236 = tpu.memref_slice %arg11[%rem3A_185] : memref<8x!tpu.dma_semaphore, #tpu.memory_space<semaphore_mem>> -> memref<1x!tpu.dma_semaphore, #tpu.memory_space<semaphore_mem>>
        %dma_wait3A_237 = tpu.memref_squeeze %dma_wait3A_236 : memref<1x!tpu.dma_semaphore, #tpu.memory_space<semaphore_mem>> -> memref<!tpu.dma_semaphore, #tpu.memory_space<semaphore_mem>>
        tpu.wait_indirect_dma semaphore(%dma_wait3A_237 : memref<!tpu.dma_semaphore, #tpu.memory_space<semaphore_mem>>) src(%dma_wait3A_229 : memref<128x64xf32, #tpu.memory_space<vmem>>) dst(%dma_wait3A_235 : memref<10000x64xf32, #tpu.memory_space<vmem_shared>>)
      } else {
      }
      %add3A_202 = arith.constant 6 : i32
      %add3A_203 = arith.addi %while3A_179, %add3A_202 : i32
      %lt3A_204 = arith.cmpi slt, %add3A_203, %select_n3A : i32
      %convert_element_type3A_205 = arith.extui %lt3A_204 : i1 to i32
      %cond3A_206 = arith.constant 0 : i32
      %cond3A_207 = arith.cmpi ne, %convert_element_type3A_205, %cond3A_206 : i32
      scf.if %cond3A_207 {
        %add3A_225 = arith.addi %add3A, %while3A_179 : i32
        %add3A_226 = arith.constant 6 : i32
        %add3A_227 = arith.addi %add3A_225, %add3A_226 : i32
        %mul3A_228 = arith.constant 128 : i32
        %mul3A_229 = arith.muli %add3A_227, %mul3A_228 : i32
        %dma_start3A_230 = arith.constant 0 : i32
        %dma_start3A_231 = arith.constant 0 : i32
        %dma_start3A_232 = tpu.memref_slice %arg7[%rem3A_185, %dma_start3A_230, %dma_start3A_231] : memref<8x128x64xf32, #tpu.memory_space<vmem>> -> memref<1x128x64xf32, #tpu.memory_space<vmem>>
        %dma_start3A_233 = tpu.memref_squeeze %dma_start3A_232 : memref<1x128x64xf32, #tpu.memory_space<vmem>> -> memref<128x64xf32, #tpu.memory_space<vmem>>
        %dma_start3A_234 = tpu.memref_slice %arg2[%mul3A_229, %mul3A_0] : memref<320000x128xf32, #tpu.memory_space<hbm>> -> memref<128x64xf32, #tpu.memory_space<hbm>>
        %dma_start3A_235 = tpu.memref_slice %arg9[%rem3A_185] : memref<8x!tpu.dma_semaphore, #tpu.memory_space<semaphore_mem>> -> memref<1x!tpu.dma_semaphore, #tpu.memory_space<semaphore_mem>>
        %dma_start3A_236 = tpu.memref_squeeze %dma_start3A_235 : memref<1x!tpu.dma_semaphore, #tpu.memory_space<semaphore_mem>> -> memref<!tpu.dma_semaphore, #tpu.memory_space<semaphore_mem>>
        %dma_start3A_237 = arith.constant 0 : i32
        %dma_start3A_238 = arith.constant 0 : i32
        %dma_start3A_239 = tpu.memref_slice %arg7[%rem3A_185, %dma_start3A_237, %dma_start3A_238] : memref<8x128x64xf32, #tpu.memory_space<vmem>> -> memref<1x128x64xf32, #tpu.memory_space<vmem>>
        %dma_start3A_240 = tpu.memref_squeeze %dma_start3A_239 : memref<1x128x64xf32, #tpu.memory_space<vmem>> -> memref<128x64xf32, #tpu.memory_space<vmem>>
        %dma_start3A_241 = tpu.memref_slice %arg2[%mul3A_229, %mul3A_0] : memref<320000x128xf32, #tpu.memory_space<hbm>> -> memref<128x64xf32, #tpu.memory_space<hbm>>
        tpu.enqueue_dma source(%dma_start3A_241 : memref<128x64xf32, #tpu.memory_space<hbm>>) target(%dma_start3A_240 : memref<128x64xf32, #tpu.memory_space<vmem>>) target_semaphore(%dma_start3A_236 : memref<!tpu.dma_semaphore, #tpu.memory_space<semaphore_mem>>)
      } else {
      }
      %mul3A_208 = arith.constant 1 : i32
      %mul3A_209 = arith.muli %while3A_179, %mul3A_208 : i32
      %add3A_210 = arith.addi %sub3A, %mul3A_209 : i32
      %add3A_211 = arith.constant 0 : i32
      %add3A_212 = arith.addi %add3A_210, %add3A_211 : i32
      %dma_start3A_213 = arith.constant 0 : i32
      %dma_start3A_214 = arith.constant 0 : i32
      %dma_start3A_215 = tpu.memref_slice %arg7[%rem3A_181, %dma_start3A_213, %dma_start3A_214] : memref<8x128x64xf32, #tpu.memory_space<vmem>> -> memref<1x128x64xf32, #tpu.memory_space<vmem>>
      %dma_start3A_216 = tpu.memref_squeeze %dma_start3A_215 : memref<1x128x64xf32, #tpu.memory_space<vmem>> -> memref<128x64xf32, #tpu.memory_space<vmem>>
      %dma_start3A_217 = arith.constant 0 : i32
      %dma_start3A_218 = tpu.memref_slice %arg8[%add3A_212, %dma_start3A_217] : memref<157x128xi32, #tpu.memory_space<vmem>> -> memref<1x128xi32, #tpu.memory_space<vmem>>
      %dma_start3A_219 = tpu.memref_squeeze %dma_start3A_218 : memref<1x128xi32, #tpu.memory_space<vmem>> -> memref<128xi32, #tpu.memory_space<vmem>>
      %dma_start3A_220 = arith.constant 0 : i32
      %dma_start3A_221 = arith.constant 0 : i32
      %dma_start3A_222 = tpu.memref_slice %arg6[%dma_start3A_220, %dma_start3A_221] : memref<10000x64xf32, #tpu.memory_space<vmem_shared>> -> memref<10000x64xf32, #tpu.memory_space<vmem_shared>>
      %dma_start3A_223 = tpu.memref_slice %arg11[%rem3A_181] : memref<8x!tpu.dma_semaphore, #tpu.memory_space<semaphore_mem>> -> memref<1x!tpu.dma_semaphore, #tpu.memory_space<semaphore_mem>>
      %dma_start3A_224 = tpu.memref_squeeze %dma_start3A_223 : memref<1x!tpu.dma_semaphore, #tpu.memory_space<semaphore_mem>> -> memref<!tpu.dma_semaphore, #tpu.memory_space<semaphore_mem>>
      tpu.enqueue_indirect_dma source(%dma_start3A_216 : memref<128x64xf32, #tpu.memory_space<vmem>>) target(%dma_start3A_222 : memref<10000x64xf32, #tpu.memory_space<vmem_shared>>) offsets(%dma_start3A_219 : memref<128xi32, #tpu.memory_space<vmem>>) semaphore(%dma_start3A_224 : memref<!tpu.dma_semaphore, #tpu.memory_space<semaphore_mem>>) {add = true}
    }
    %sub3A_137 = arith.constant 1 : i32
    %sub3A_138 = arith.subi %select_n3A, %sub3A_137 : i32
    %sub3A_139 = arith.constant 0 : i32
    %sub3A_140 = arith.subi %sub3A_138, %sub3A_139 : i32
    %add3A_141 = arith.constant 8 : i32
    %add3A_142 = arith.addi %sub3A_140, %add3A_141 : i32
    %rem3A = arith.constant 8 : i32
    %rem3A_143 = arith.remsi %add3A_142, %rem3A : i32
    %dma_wait3A_144 = arith.constant 0 : i32
    %dma_wait3A_145 = arith.constant 0 : i32
    %dma_wait3A_146 = arith.constant 0 : i32
    %dma_wait3A_147 = tpu.memref_slice %arg7[%rem3A_143, %dma_wait3A_145, %dma_wait3A_146] : memref<8x128x64xf32, #tpu.memory_space<vmem>> -> memref<1x128x64xf32, #tpu.memory_space<vmem>>
    %dma_wait3A_148 = tpu.memref_squeeze %dma_wait3A_147 : memref<1x128x64xf32, #tpu.memory_space<vmem>> -> memref<128x64xf32, #tpu.memory_space<vmem>>
    %dma_wait3A_149 = arith.constant 0 : i32
    %dma_wait3A_150 = tpu.memref_slice %arg8[%dma_wait3A_144, %dma_wait3A_149] : memref<157x128xi32, #tpu.memory_space<vmem>> -> memref<1x128xi32, #tpu.memory_space<vmem>>
    %dma_wait3A_151 = tpu.memref_squeeze %dma_wait3A_150 : memref<1x128xi32, #tpu.memory_space<vmem>> -> memref<128xi32, #tpu.memory_space<vmem>>
    %dma_wait3A_152 = arith.constant 0 : i32
    %dma_wait3A_153 = arith.constant 0 : i32
    %dma_wait3A_154 = tpu.memref_slice %arg6[%dma_wait3A_152, %dma_wait3A_153] : memref<10000x64xf32, #tpu.memory_space<vmem_shared>> -> memref<10000x64xf32, #tpu.memory_space<vmem_shared>>
    %dma_wait3A_155 = tpu.memref_slice %arg11[%rem3A_143] : memref<8x!tpu.dma_semaphore, #tpu.memory_space<semaphore_mem>> -> memref<1x!tpu.dma_semaphore, #tpu.memory_space<semaphore_mem>>
    %dma_wait3A_156 = tpu.memref_squeeze %dma_wait3A_155 : memref<1x!tpu.dma_semaphore, #tpu.memory_space<semaphore_mem>> -> memref<!tpu.dma_semaphore, #tpu.memory_space<semaphore_mem>>
    tpu.wait_indirect_dma semaphore(%dma_wait3A_156 : memref<!tpu.dma_semaphore, #tpu.memory_space<semaphore_mem>>) src(%dma_wait3A_148 : memref<128x64xf32, #tpu.memory_space<vmem>>) dst(%dma_wait3A_154 : memref<10000x64xf32, #tpu.memory_space<vmem_shared>>)
    %sub3A_157 = arith.constant 1 : i32
    %sub3A_158 = arith.subi %select_n3A, %sub3A_157 : i32
    %sub3A_159 = arith.constant 1 : i32
    %sub3A_160 = arith.subi %sub3A_158, %sub3A_159 : i32
    %add3A_161 = arith.constant 8 : i32
    %add3A_162 = arith.addi %sub3A_160, %add3A_161 : i32
    %rem3A_163 = arith.constant 8 : i32
    %rem3A_164 = arith.remsi %add3A_162, %rem3A_163 : i32
    %dma_wait3A_165 = arith.constant 0 : i32
    %dma_wait3A_166 = arith.constant 0 : i32
    %dma_wait3A_167 = arith.constant 0 : i32
    %dma_wait3A_168 = tpu.memref_slice %arg7[%rem3A_164, %dma_wait3A_166, %dma_wait3A_167] : memref<8x128x64xf32, #tpu.memory_space<vmem>> -> memref<1x128x64xf32, #tpu.memory_space<vmem>>
    %dma_wait3A_169 = tpu.memref_squeeze %dma_wait3A_168 : memref<1x128x64xf32, #tpu.memory_space<vmem>> -> memref<128x64xf32, #tpu.memory_space<vmem>>
    %dma_wait3A_170 = arith.constant 0 : i32
    %dma_wait3A_171 = tpu.memref_slice %arg8[%dma_wait3A_165, %dma_wait3A_170] : memref<157x128xi32, #tpu.memory_space<vmem>> -> memref<1x128xi32, #tpu.memory_space<vmem>>
    %dma_wait3A_172 = tpu.memref_squeeze %dma_wait3A_171 : memref<1x128xi32, #tpu.memory_space<vmem>> -> memref<128xi32, #tpu.memory_space<vmem>>
    %dma_wait3A_173 = arith.constant 0 : i32
    %dma_wait3A_174 = arith.constant 0 : i32
    %dma_wait3A_175 = tpu.memref_slice %arg6[%dma_wait3A_173, %dma_wait3A_174] : memref<10000x64xf32, #tpu.memory_space<vmem_shared>> -> memref<10000x64xf32, #tpu.memory_space<vmem_shared>>
    %dma_wait3A_176 = tpu.memref_slice %arg11[%rem3A_164] : memref<8x!tpu.dma_semaphore, #tpu.memory_space<semaphore_mem>> -> memref<1x!tpu.dma_semaphore, #tpu.memory_space<semaphore_mem>>
    %dma_wait3A_177 = tpu.memref_squeeze %dma_wait3A_176 : memref<1x!tpu.dma_semaphore, #tpu.memory_space<semaphore_mem>> -> memref<!tpu.dma_semaphore, #tpu.memory_space<semaphore_mem>>
    tpu.wait_indirect_dma semaphore(%dma_wait3A_177 : memref<!tpu.dma_semaphore, #tpu.memory_space<semaphore_mem>>) src(%dma_wait3A_169 : memref<128x64xf32, #tpu.memory_space<vmem>>) dst(%dma_wait3A_175 : memref<10000x64xf32, #tpu.memory_space<vmem_shared>>)
    %barrier3A_178 = arith.constant 0 : index
    tpu.barrier barrier_id(%barrier3A_178)
    "tpu.region"() ({
      %run_scoped3A = tpu.sem_alloc : memref<!tpu.dma_semaphore, #tpu.memory_space<semaphore_mem>>
      %dma_start3A_179 = tpu.memref_slice %arg5[%mul3A_122, %mul3A_0] : memref<10000x128xf32, #tpu.memory_space<hbm>> -> memref<625x64xf32, #tpu.memory_space<hbm>>
      %dma_start3A_180 = arith.constant 0 : i32
      %dma_start3A_181 = tpu.memref_slice %arg6[%mul3A_122, %dma_start3A_180] : memref<10000x64xf32, #tpu.memory_space<vmem_shared>> -> memref<625x64xf32, #tpu.memory_space<vmem_shared>>
      tpu.enqueue_dma source(%dma_start3A_181 : memref<625x64xf32, #tpu.memory_space<vmem_shared>>) target(%dma_start3A_179 : memref<625x64xf32, #tpu.memory_space<hbm>>) target_semaphore(%run_scoped3A : memref<!tpu.dma_semaphore, #tpu.memory_space<semaphore_mem>>)
      %dma_wait3A_182 = tpu.memref_slice %arg5[%mul3A_122, %mul3A_0] : memref<10000x128xf32, #tpu.memory_space<hbm>> -> memref<625x64xf32, #tpu.memory_space<hbm>>
      %dma_wait3A_183 = arith.constant 0 : i32
      %dma_wait3A_184 = tpu.memref_slice %arg6[%mul3A_122, %dma_wait3A_183] : memref<10000x64xf32, #tpu.memory_space<vmem_shared>> -> memref<625x64xf32, #tpu.memory_space<vmem_shared>>
      tpu.wait_dma2 semaphore(%run_scoped3A : memref<!tpu.dma_semaphore, #tpu.memory_space<semaphore_mem>>) src(%dma_wait3A_184 : memref<625x64xf32, #tpu.memory_space<vmem_shared>>) dst(%dma_wait3A_182 : memref<625x64xf32, #tpu.memory_space<hbm>>)
      tpu.yield
    }) : () -> ()
    return
  }
}

</mosaic_0001>

<sc_bundles>
// kernel: kernel.3.cloned.1.call-start
scs
__scs_entry_jumppad:
0x0: {  	(pc) =	sbr.rel $0x88, $3  }
0x1: {  	(tag) =	ssettag $0x0;
	lr =	simm.s32 $0x1  }
0x2: {  	[smem:$0x3F9F] =	sst lr;
	_ =	strace $0xD0000000  }
0x3: {  	_ = 	snop  }
0x4: {  	_ = 	snop  }
0x5: {  	_ = 	snop  }
0x6: {  	_ = 	snop  }
0x7: {  	_ = 	snop  }
__scs_overlays_trampoline_lowered:
0x8: {  	[smem:$0x3FAE] =	sst s0  }
0x9: {  	[smem:$0x3FAF] =	sst s1  }
0xa: {  	[smem:$0x3FB0] =	sst s2  }
0xb: {  	[smem:$0x3FB1] =	sst s3  }
0xc: {  	[smem:$0x3FB2] =	sst s4  }
0xd: {  	[smem:$0x3FB3] =	sst s5  }
0xe: {  	[smem:$0x3FB4] =	sst s6  }
0xf: {  	[smem:$0x3FB5] =	sst s7  }
0x10: {  	[smem:$0x3FB6] =	sst s8  }
0x11: {  	[smem:$0x3FB7] =	sst s9;
	s0 =	simm.s32 @!p0 $0x0  }
0x12: {  	s1 =	sld [smem:$0x3F9D];
	s0 =	simm.s32 @p0 $0x1  }
0x13: {  	[smem:$0x3FB8] =	sst s0;
	s0 =	simm.s32 @!p1 $0x0  }
0x14: {  	s2 =	sld [smem:$0x3F9C];
	s0 =	simm.s32 @p1 $0x1  }
0x15: {  	[smem:$0x3FB9] =	sst s0;
	s0 =	simm.s32 @!p2 $0x0  }
0x16: {  	s3 =	sld [smem:$0x3FDB];
	s0 =	simm.s32 @p2 $0x1  }
0x17: {  	s4 =	simm.s32 $0x1BF5;
	[smem:$0x3FBB] =	sst s0  }
0x18: {  	s0 =	sld [smem:$0x3F9E];
	_ =	swait.ge [sflag:s4], $0x0  }
0x19: {  	s7 =	sld [smem:$0x3F9F]  }
0x1a: {  	s8 =	sadd.s32 $0xFFFFE003, lr  }
0x1b: {  	s9 =	sadd.s32 $0xFFFFFEF7, lr;
	s5 =	simm.s32 $0xFFFFFFFF;
	p2 =	slt.u32 s8, $0xFFFFF086  }
0x1c: {  	p1 =	slt.u32 s9, $0xF7A;
	s5 =	simm.s32 @!p2 $0x0  }
0x1d: {  	s5 =	simm.s32 @p1 $0x1;
	p0 =	seq.s32 s7, s2  }
0x1e: {  	s7 =	smul.u32 @!p0 $0xF7A, s2;
	p2 =	seq.s32 @!p0 s5, $0x0  }
0x1f: {  	s9 =	smul.u32 $0xF7A, s1;
	s8 =	simm.s32 @!p0 $0x1BF5;
	p2 =	por !p2, p0  }
0x20: {  	[sflag:s8] =	ssyncset.s32 @!p0 $0xFFFFF086;
	s6 =	sadd.s32 @!p0 s3, s7;
	s7 =	simm.s32 @!p0 $0x108  }
0x21: {  	s3 =	sadd.s32 s3, s9;
	s6 =	sadd.s32 @!p0 $0x88, s6;
	s7 =	simm.s32 @p2 $0x1082  }
0x22: {  	[simem:s7], [sflag:s8] =	dma.local @!p0 [hbm:s6], $0xF7A  }
0x23: {  	s9 =	sor.u32 $0xD0000000, s2;
	s6 =	simm.s32 $0x108;
	_ =	swait.ge @!p0 [sflag:s8], $0x0  }
0x24: {  	s3 =	sadd.s32 $0x88, s3;
	s6 =	simm.s32 @!p1 $0x1082;
	[sflag:s4] =	ssyncset.s32 $0xFFFFF086  }
0x25: {  	[simem:s6], [sflag:s4] =	dma.local [hbm:s3], $0xF7A  }
0x26: {  	[smem:$0x3F9F] =	sst s1;
	(tag) =	ssettag s2;
	_ =	strace s9  }
0x27: {  	s1 =	sld [smem:$0x3FAF]  }
0x28: {  	s2 =	sld [smem:$0x3FB0]  }
0x29: {  	s4 =	sld [smem:$0x3FB2]  }
0x2a: {  	p0 =	seq.s32 s5, $0x0;
	s5 =	sld [smem:$0x3FB3]  }
0x2b: {  	s6 =	sld [smem:$0x3FB4]  }
0x2c: {  	s7 =	sld [smem:$0x3FB5]  }
0x2d: {  	s3 =	simm.s32 $0x108;
	s8 =	sld [smem:$0x3FB6]  }
0x2e: {  	s3 =	simm.s32 @!p0 $0x1082;
	s9 =	sld [smem:$0x3FB7]  }
0x2f: {  	lr =	sadd.s32 s0, s3;
	s0 =	sld [smem:$0x3FAE]  }
0x30: {  	s3 =	sld [smem:$0x3FB1]  }
0x31: {  	[smem:$0x3FBA] =	sst s10  }
0x32: {  	s10 =	sld [smem:$0x3FB8];
	_ =	sdelay $0x3  }
0x33: {  	p0 =	seq.s32 s10, $0x1;
	s10 =	sld [smem:$0x3FBA];
	_ =	sdelay $0x3  }
0x34: {  	[smem:$0x3FBA] =	sst s10  }
0x35: {  	s10 =	sld [smem:$0x3FB9];
	_ =	sdelay $0x3  }
0x36: {  	p1 =	seq.s32 s10, $0x1;
	s10 =	sld [smem:$0x3FBA];
	_ =	sdelay $0x3  }
0x37: {  	[smem:$0x3FBA] =	sst s10  }
0x38: {  	s10 =	sld [smem:$0x3FBB]  }
0x39: {  	_ = 	snop;
	(pc) =	sbr.ind lr, $3  }
0x3a: {  	_ = 	snop  }
0x3b: {  	_ = 	snop  }
0x3c: {  	p2 =	seq.s32 s10, $0x1;
	s10 =	sld [smem:$0x3FBA]  }
0x3d: {  	_ =	shalt  }
0x3e: {  	_ =	shalt  }
0x3f: {  	_ =	shalt  }
0x40: {  	_ =	shalt  }
0x41: {  	_ =	shalt  }
0x42: {  	_ =	shalt  }
0x43: {  	_ =	shalt  }
0x44: {  	_ =	shalt  }
0x45: {  	_ =	shalt  }
0x46: {  	_ =	shalt  }
0x47: {  	_ =	shalt  }
0x48: {  	_ =	shalt  }
0x49: {  	_ =	shalt  }
0x4a: {  	_ =	shalt  }
0x4b: {  	_ =	shalt  }
0x4c: {  	_ =	shalt  }
0x4d: {  	_ =	shalt  }
0x4e: {  	_ =	shalt  }
0x4f: {  	_ =	shalt  }
0x50: {  	_ =	shalt  }
0x51: {  	_ =	shalt  }
0x52: {  	_ =	shalt  }
0x53: {  	_ =	shalt  }
0x54: {  	_ =	shalt  }
0x55: {  	_ =	shalt  }
0x56: {  	_ =	shalt  }
0x57: {  	_ =	shalt  }
0x58: {  	_ =	shalt  }
0x59: {  	_ =	shalt  }
0x5a: {  	_ =	shalt  }
0x5b: {  	_ =	shalt  }
0x5c: {  	_ =	shalt  }
0x5d: {  	_ =	shalt  }
0x5e: {  	_ =	shalt  }
0x5f: {  	_ =	shalt  }
0x60: {  	_ =	shalt  }
0x61: {  	_ =	shalt  }
0x62: {  	_ =	shalt  }
0x63: {  	_ =	shalt  }
0x64: {  	_ =	shalt  }
0x65: {  	_ =	shalt  }
0x66: {  	_ =	shalt  }
0x67: {  	_ =	shalt  }
0x68: {  	_ =	shalt  }
0x69: {  	_ =	shalt  }
0x6a: {  	_ =	shalt  }
0x6b: {  	_ =	shalt  }
0x6c: {  	_ =	shalt  }
0x6d: {  	_ =	shalt  }
0x6e: {  	_ =	shalt  }
0x6f: {  	_ =	shalt  }
0x70: {  	_ =	shalt  }
0x71: {  	_ =	shalt  }
0x72: {  	_ =	shalt  }
0x73: {  	_ =	shalt  }
0x74: {  	_ =	shalt  }
0x75: {  	_ =	shalt  }
0x76: {  	_ =	shalt  }
0x77: {  	_ =	shalt  }
0x78: {  	_ =	shalt  }
0x79: {  	_ =	shalt  }
0x7a: {  	_ =	shalt  }
0x7b: {  	_ =	shalt  }
0x7c: {  	_ =	shalt  }
0x7d: {  	_ =	shalt  }
0x7e: {  	_ =	shalt  }
0x7f: {  	_ =	shalt  }
0x80: {  	_ =	shalt  }
0x81: {  	_ =	shalt  }
0x82: {  	_ =	shalt  }
0x83: {  	_ =	shalt  }
0x84: {  	_ =	shalt  }
0x85: {  	_ =	shalt  }
0x86: {  	_ =	shalt  }
0x87: {  	_ =	shalt  }
.Lfunc_end0:
.L_simem_size_0:
called_computation_lowered:
.L_overlay_start_0:
0x88: {  	s2 =	sld [smem:$0x3FD9]  }
0x89: {  	s3 =	sld [smem:$0x3FFE];
	_ =	sdelay $0x1  }
0x8a: {  	s1 =	srdreg.scid  }
0x8b: {  	s0 =	sand.u32 $0x1, s1  }
0x8c: {  	s17 =	sshll.u32 s0, $0xA;
	s2 =	sadd.s32 s3, s2  }
0x8d: {  	s2 =	sadd.s32 s2, s17  }
0x8e: {  	[smem:$0x3FC6] =	sst s2  }
0x8f: {  	_ = 	snop  }
0x90: {  	s2 =	sld [smem:$0x3FC9]  }
0x91: {  	s18 =	sld [smem:$0x3FC8]  }
0x92: {  	s4 =	sld [smem:$0x3FD0];
	(tm) =	ssettm $0x1  }
0x93: {  	s5 =	sld [smem:$0x3FFB];
	_ =	sdelay $0x3  }
0x94: {  	_ =	strace s5  }
0x95: {  	s5 =	sld [smem:$0x3FFC];
	_ =	sdelay $0x3  }
0x96: {  	_ =	strace s5  }
0x97: {  	s5 =	sld [smem:$0x3FFD];
	_ =	sdelay $0x3  }
0x98: {  	_ =	strace s5  }
0x99: {  	_ =	strace $0x8FFFFFFF  }
0x9a: {  	s19 =	sld [smem:$0x3FDB];
	_ =	sdelay $0x1  }
0x9b: {  	s6 =	simm.s32 $_scs_section_size  }
0x9c: {  	s7 =	simm.s32 $_size__tile_overlayer_lowered;
	s8 =	simm.s32 $_tile_overlayer_lowered  }
0x9d: {  	s22 =	simm.s32 $0x1BFF;
	s21 =	sshll.u32 s8, $0x1;
	s5 =	sadd.s32 s6, s19  }
0x9e: {  	s9 =	simm.s32 $0x0;
	s20 =	sshll.u32 s7, $0x1;
	s7 =	sadd.s32 s21, s5  }
0x9f: {  	[timem:s9], [sflag:s22] =	dma.local [hbm:s7], s20  }
0xa0: {  	_ =	swait.ge [sflag:s22], s20  }
0xa1: {  	s6 =	ssub.s32 $0x0, s20;
	[sflag:s22] =	ssyncset.done $0x0  }
0xa2: {  	[sflag:s22] =	ssyncadd.s32 s6;
	_ =	sdelay $0x1  }
0xa3: {  	s23 =	simm.s32 $0x1B8B  }
0xa4: {  	_ =	swait.ge [sflag:s23], $0x1  }
0xa5: {  	[sflag:s23] =	ssyncset.done $0x0  }
0xa6: {  	s25 =	simm.s32 $0x1B8E;
	s24 =	sld [smem:$0x3FFE];
	[sflag:s23] =	ssyncadd.s32 $0xFFFFFFFF  }
0xa7: {  	s26 =	simm.s32 $execute0_lowered;
	[smem:$0x3FD2] =	sst s25  }
0xa8: {  	s7 =	sshll.u32 s26, $0x1;
	_ =	strace $0x80000046;
	[dreg:$0x1] =	wrdreg $0xFFFFFFFF  }
0xa9: {  	s28 =	simm.s32 $_size_execute0_lowered;
	s5 =	sadd.s32 s5, s7;
	[dreg:$0x0] =	wrdreg $0x0  }
0xaa: {  	s7 =	sshll.u32 s28, $0x1;
	[dreg:$0x2] =	wrdreg s5  }
0xab: {  	[dreg:$0x3] =	wrdreg s7  }
0xac: {  	[dreg:$0x4] =	wrdreg $0xC0  }
0xad: {  	_ =	task [dreg:s9], $0x5FFFF  }
0xae: {  	[dreg:$0x1] =	wrdreg $0xFFFFFFFF  }
0xaf: {  	[dreg:$0x0] =	wrdreg $0x60  }
0xb0: {  	[dreg:$0x2] =	wrdreg s2  }
0xb1: {  	[dreg:$0x3] =	wrdreg s18  }
0xb2: {  	[dreg:$0x4] =	wrdreg s24  }
0xb3: {  	[dreg:$0x5] =	wrdreg s4  }
0xb4: {  	[dreg:$0x6] =	wrdreg $0x0  }
0xb5: {  	[dreg:$0x7] =	wrdreg $0x9  }
0xb6: {  	_ =	task.clear_ibuf [dreg:s9], $0x8FFFF;
	_ =	strace $0x90000046  }
0xb7: {  	s29 =	simm.s32 $0x9;
	_ =	strace $0x80000048  }
0xb8: {  	_ =	swait.ge [sflag:s29], $0x1  }
0xb9: {  	[sflag:s29] =	ssyncadd.s32 $0xFFFFFFFF  }
0xba: {  	_ =	strace $0x90000048  }
0xbb: {  	_ =	sfence  }
0xbc: {  	s30 =	sld [smem:$0x0];
	_ =	sdelay $0x2  }
0xbd: {  	s31 =	sshll.u32 s1, $0xD;
	s1 =	sshrl.u32 s1, $0x2  }
0xbe: {  	s3 =	sand.u32 $0x4000, s31;
	s1 =	sadd.s32 s1, s30  }
0xbf: {  	s0 =	sor.u32 s3, s0;
	s1 =	sshll.u32 s1, $0x11  }
0xc0: {  	s0 =	sor.u32 s1, s0  }
0xc1: {  	s0 =	sadd.s32 $0x8F2B, s0  }
0xc2: {  	[sflag:s0] =	ssyncadd.remote.s32 $0x1  }
0xc3: {  	_ =	sfence.sel $0xFFFF  }
0xc4: {  	[dreg:$0x0] =	wrdreg $0xFFFFFFFF;
	(pc) =	sbr.abs _section_cstart, $3  }
0xc5: {  	[dreg:$0x1] =	wrdreg $0xFFFFFFFF  }
0xc6: {  	_ =	task.clear_ibuf [dreg:s9], $0x2FFFF;
	_ =	strace $0x9FFFFFFF  }
0xc7: {  	(tm) =	ssettm $0x7FFFFFFF  }
tec
execute0_lowered:
.L_overlay_start_1:
0x0: {  	(tag) =	ssettag $0x1  }
0x1: {  	s0 =	rddreg [dreg:$0x0]  }
0x2: {  	s1 =	rddreg [dreg:$0x1]  }
0x3: {  	s3 =	rddreg [dreg:$0x2]  }
0x4: {  	s5 =	rddreg [dreg:$0x3]  }
0x5: {  	s2 =	rddreg [dreg:$0x4]  }
0x6: {  	s6 =	simm.s32 $0x0;
	s17 =	stileid.u32;
	s4 =	srdreg.scid  }
0x7: {  	s28 =	simm.s32 $0x80;
	s29 =	simm.s32 $0x9C40;
	s30 =	simm.s32 $0xBC40  }
0x8: {  	s31 =	simm.s32 $0x2;
	[smem:$0x7FF] =	sst s6;
	s6 =	smul.u32 $0x9C40, s17  }
0x9: {  	s4 =	sand.u32 $0x1, s4;
	s8 =	smul.u32 $0x9C, s17;
	s11 =	smin.u32 s17, $0x4  }
0xa: {  	p0 =	slt.u32 s17, $0x4;
	s24 =	smul.u32 $0x13880, s17;
	s7 =	ssub.s32 $0x2, s4  }
0xb: {  	_ =	strace $0x80000047;
	s9 =	sshrl.u32 s6, $0x3;
	s10 =	sshrl.u32 s7, $0x1  }
0xc: {  	s8 =	sadd.s32 s11, s8;
	s6 =	sadd.s32 s6, s2;
	s3 =	sadd.s32 s9, s3  }
0xd: {  	s7 =	ssub.s32 s7, s10;
	s9 =	sshll.u32 s4, $0x6;
	s10 =	sshll.u32 s8, $0xE  }
0xe: {  	s4 =	simm.s32 $0x9D;
	[dreg:$0xd] =	wrdreg s6;
	s12 =	sor.u32 s9, s10  }
0xf: {  	s15 =	sadd.s32 $0x4000, s10;
	s4 =	simm.s32 @!p0 $0x9C;
	s26 =	sor.u32 s9, s24  }
0x10: {  	s3 =	sadd.s32 $0x400, s3;
	s7 =	smax.u32 s7, $0x1;
	s13 =	sshrl.u32 s12, $0x3  }
0x11: {  	s14 =	sor.u32 s9, s15;
	s18 =	sadd.s32 $0x8000, s12;
	s20 =	sadd.s32 $0xC000, s12  }
0x12: {  	s22 =	sadd.s32 $0x10000, s12;
	s12 =	sadd.s32 $0x14000, s12;
	[dreg:$0xe] =	wrdreg s3  }
0x13: {  	[dreg:$0x10] =	wrdreg s7;
	s13 =	sadd.s32 s0, s13;
	s16 =	sshrl.u32 s14, $0x3  }
0x14: {  	s19 =	sshrl.u32 s18, $0x3;
	s21 =	sshrl.u32 s20, $0x3;
	s23 =	sshrl.u32 s22, $0x3  }
0x15: {  	s12 =	sshrl.u32 s12, $0x3;
	s18 =	sshll.u32 s17, $0x6;
	s20 =	sadd.s32 $0xFFFFFFFF, s4  }
0x16: {  	[dreg:$0x6] =	wrdreg s13;
	s13 =	sadd.s32 s0, s16;
	s16 =	smin.u32 s8, $0x927  }
0x17: {  	s12 =	sadd.s32 s0, s12;
	s22 =	sand.u32 $0x7, s20;
	[dreg:$0x7] =	wrdreg s13  }
0x18: {  	s13 =	sadd.s32 s0, s19;
	[dreg:$0xb] =	wrdreg s12;
	s25 =	sshll.u32 s16, $0x4  }
0x19: {  	s8 =	ssub.s32 s8, s16;
	s12 =	sor.u32 $0x18000, s9;
	s19 =	sshll.u32 s16, $0x9  }
0x1a: {  	s16 =	sadd.s32 $0xA, s22;
	[dreg:$0x8] =	wrdreg s13;
	s13 =	sadd.s32 s0, s21  }
0x1b: {  	s1 =	sadd.s32 s1, s25;
	s14 =	sadd.s32 s12, s10;
	s3 =	sadd.s32 s12, s15  }
0x1c: {  	s15 =	sshll.u32 s11, $0x9;
	s21 =	smul.u32 $0x270000, s17;
	s11 =	sshll.u32 s11, $0xE  }
0x1d: {  	s8 =	sshll.u32 s8, $0x9;
	[dreg:$0x9] =	wrdreg s13;
	s13 =	sadd.s32 s0, s23  }
0x1e: {  	[dreg:$0xc] =	wrdreg s1;
	s1 =	sshrl.u32 s26, $0x3;
	s23 =	sand.u32 $0x1, s4  }
0x1f: {  	s24 =	sshra.s32 s8, $0x2;
	s3 =	sshrl.u32 s3, $0x3;
	[dreg:$0xa] =	wrdreg s13  }
0x20: {  	s1 =	sadd.s32 s5, s1;
	s13 =	smul.u32 $0x13800, s17;
	s6 =	sadd.s32 s11, s21  }
0x21: {  	s17 =	sor.u32 $0xC, s23;
	s25 =	sadd.s32 $0x19C40, s24;
	[dreg:$0xf] =	wrdreg s1  }
0x22: {  	s5 =	sshrl.u32 s14, $0x3;
	s3 =	sadd.s32 s0, s3;
	[dreg:$0x12] =	wrdreg s25  }
0x23: {  	s5 =	sadd.s32 s0, s5;
	s6 =	sor.u32 s9, s6;
	[dreg:$0x13] =	wrdreg s3  }
0x24: {  	s1 =	sadd.s32 s15, s13;
	s15 =	sor.u32 $0x1C12, s18;
	[dreg:$0x11] =	wrdreg s5  }
0x25: {  	s26 =	sadd.s32 $0x20000, s6;
	s5 =	sadd.s32 $0x19CC0, s24;
	s24 =	sadd.s32 $0xFFFFFFFE, s4  }
0x26: {  	s1 =	ssub.s32 s1, s19;
	[dreg:$0x14] =	wrdreg s5;
	s3 =	sshrl.u32 s26, $0x3  }
0x27: {  	s26 =	simm.s32 $0x40;
	s5 =	simm.s32 $0x0;
	s1 =	sadd.s32 $0x400, s1  }
0x28: {  	s7 =	sadd.s32 s3, s0;
	s0 =	simm.s32 $0x12;
	s1 =	sshra.s32 s1, $0x2  }
0x29: {  	s3 =	simm.s32 $0x1;
	s10 =	sadd.s32 $0x19C40, s1;
	s1 =	simm.s32 $0x9  }
.LBB2_1:
0x2a: {  	s6 =	rddreg [dreg:$0x6]  }
0x2b: {  	s19 =	rddreg [dreg:$0x7]  }
0x2c: {  	s20 =	rddreg [dreg:$0x8]  }
0x2d: {  	[tilespmem:s29], [sflag:$0x1] =	stream.strided.gather [hbm4b:s6+s26], $0x2000, s28, s26, $0x38;
	[tilespmem:$0x1EAC0] =	vst v63  }
0x2e: {  	s21 =	rddreg [dreg:$0x9]  }
0x2f: {  	[tilespmem:s30], [sflag:$0x2] =	stream.strided.gather [hbm4b:s19+s26], $0x2000, s28, s26, $0x38;
	[tilespmem:$0x1EAC0] =	vst v63  }
0x30: {  	s8 =	simm.s32 $0xDC40;
	s23 =	rddreg [dreg:$0xa]  }
0x31: {  	[tilespmem:s8], [sflag:$0x3] =	stream.strided.gather [hbm4b:s20+s26], $0x2000, s28, s26, $0x38;
	[tilespmem:$0x1EAC0] =	vst v63  }
0x32: {  	s22 =	simm.s32 $0xFC40;
	s9 =	rddreg [dreg:$0xb]  }
0x33: {  	[tilespmem:s22], [sflag:$0x4] =	stream.strided.gather [hbm4b:s21+s26], $0x2000, s28, s26, $0x38;
	[tilespmem:$0x1EAC0] =	vst v63  }
0x34: {  	s25 =	simm.s32 $0x11C40;
	s13 =	rddreg [dreg:$0xc]  }
0x35: {  	[tilespmem:s25], [sflag:$0x5] =	stream.strided.gather [hbm4b:s23+s26], $0x2000, s28, s26, $0x38;
	[tilespmem:$0x1EAC0] =	vst v63  }
0x36: {  	s11 =	simm.s32 $0x13C40;
	s12 =	simm.s32 $0x0;
	s14 =	rddreg [dreg:$0xd]  }
0x37: {  	[tilespmem:s11], [sflag:$0x6] =	stream.strided.gather [hbm4b:s9+s26], $0x2000, s28, s26, $0x38;
	[tilespmem:$0x1EAC0] =	vst v63  }
0x38: {  	s18 =	rddreg [dreg:$0xe];
	s6 =	sshrl.u32 s14, $0x3;
	s9 =	simm.s32 $0x19C40  }
0x39: {  	[tilespmem:s9], [sflag:$0x9] =	stream.linear.gather [hbm4b:s13+s12], $0x4E80, $0x38;
	[tilespmem:$0x1EAC0] =	vst v63  }
0x3a: {  	[spmem:s6], [sflag:s15] =	dma.local [hbm:s18], $0x1388  }
0x3b: {  	_ =	swait.ge [sflag:s0], $0x1388  }
0x3c: {  	[sflag:s0] =	ssyncset.done $0x0  }
0x3d: {  	[sflag:s0] =	ssyncadd.s32 $0xFFFFEC78  }
0x3e: {  	_ =	swait.ge [sflag:s1], $0x4E80  }
0x3f: {  	[sflag:s1] =	ssyncset.done $0x0  }
0x40: {  	[sflag:s1] =	ssyncadd.s32 $0xFFFFB180  }
0x41: {  	[bflag:$0x0] =	sbarrier.arrive $0xFFFF  }
0x42: {  	_ =	swait.ge [sflag:s3], $0x2000  }
0x43: {  	[sflag:s3] =	ssyncset.done $0x0  }
0x44: {  	s20 =	simm.s32 $0x15C40;
	s19 =	rddreg [dreg:$0x11];
	[sflag:s3] =	ssyncadd.s32 $0xFFFFE000  }
0x45: {  	[tilespmem:s20], [sflag:$0x7] =	stream.strided.gather [hbm4b:s19+s26], $0x2000, s28, s26, $0x38;
	[tilespmem:$0x1EAC0] =	vst v63  }
0x46: {  	s21 =	rddreg [dreg:$0x12]  }
0x47: {  	[spmem:s2] =	stream.indirect.scatter.add.f32 [tilespmem:s29], [sflag:$0xA], $0x40, s21, s28, $0xb8;
	[tilespmem:$0x1EAC0] =	vst v63  }
0x48: {  	_ =	swait.ge [sflag:s31], $0x2000  }
0x49: {  	p1 =	sne.s32 s24, $0x1;
	s23 =	simm.s32 $0x17C40;
	[sflag:s31] =	ssyncset.done $0x0  }
.Ltmp0:
0x4a: {  	s22 =	rddreg [dreg:$0x13];
	[sflag:s31] =	ssyncadd.s32 $0xFFFFE000;
	(pc) =	sbr.rel @!p1 .LBB2_6-.Ltmp0, $4  }
0x4b: {  	[tilespmem:s23], [sflag:$0x8] =	stream.strided.gather [hbm4b:s22+s26], $0x2000, s28, s26, $0x38;
	[tilespmem:$0x1EAC0] =	vst v63  }
0x4c: {  	p0 =	por $0x0, $0x0;
	s9 =	simm.s32 $0x1;
	s25 =	rddreg [dreg:$0x14]  }
0x4d: {  	[spmem:s2] =	stream.indirect.scatter.add.f32 [tilespmem:s30], [sflag:$0xB], $0x40, s25, s28, $0xb8;
	[tilespmem:$0x1EAC0] =	vst v63  }
0x4e: {  	s12 =	simm.s32 $0x0;
	s23 =	smov.u32 s7;
	s25 =	smov.u32 s10  }
0x4f: {  	s8 =	simm.s32 $0x2  }
0x50: {  	s8 =	sand.u32 $0x7, s8  }
0x51: {  	s11 =	sadd.s32 $0x1, s8  }
0x52: {  	s12 =	simm.s32 $0x8;
	_ =	swait.ge [sflag:s11], $0x2000  }
0x53: {  	p0 =	sle.u32 s4, $0x8;
	s12 =	sand.u32 $0x7, s12;
	[sflag:s11] =	ssyncset.done $0x0  }
0x54: {  	p1 =	sne.s32 s24, $0x2;
	s23 =	sadd.s32 $0xA, s12;
	[sflag:s11] =	ssyncadd.s32 $0xFFFFE000  }
0x55: {  	s25 =	simm.s32 @!p0 $0x40;
	s11 =	sshll.u32 @!p0 s12, $0xD;
	_ =	swait.ge [sflag:s23], $0x2000  }
.Ltmp1:
0x56: {  	s12 =	sadd.s32 @!p0 $0x1, s12;
	[sflag:s23] =	ssyncset.done $0x0;
	(pc) =	sbr.rel @!p1 .LBB2_3-.Ltmp1, $4  }
0x57: {  	s11 =	sadd.s32 @!p0 $0x9C40, s11;
	[sflag:s23] =	ssyncadd.s32 $0xFFFFE000;
	s23 =	simm.s32 @!p0 $0x80  }
0x58: {  	[tilespmem:s11], [sflag:s12] =	stream.strided.gather @!p0 [hbm4b:s7+s25], $0x2000, s23, s25, $0x38;
	[tilespmem:$0x1EAC0] =	vst v63  }
0x59: {  	s12 =	simm.s32 $0x2;
	s11 =	sshll.u32 s8, $0xD  }
0x5a: {  	s23 =	sadd.s32 $0x800, s7;
	p0 =	por $0x1, $0x1;
	s25 =	smov.u32 s10  }
.LBB2_4:
0x5b: {  	s13 =	sadd.s32 $0x2, s9;
	s14 =	smov.u32 s12;
	s12 =	sadd.s32 $0x1, s12  }
0x5c: {  	s18 =	smov.u32 s25;
	s25 =	sadd.s32 $0x80, s25;
	s19 =	smov.u32 s23  }
0x5d: {  	s20 =	sadd.s32 $0x9C40, s11;
	s21 =	sadd.s32 $0xA, s8;
	s8 =	sand.u32 $0x7, s13  }
0x5e: {  	s13 =	sadd.s32 $0x8, s9;
	s22 =	sadd.s32 $0x1, s8;
	s11 =	sshll.u32 s8, $0xD  }
0x5f: {  	[spmem:s2] =	stream.indirect.scatter.add.f32 [tilespmem:s20], [sflag:s21], $0x40, s18, s28, $0xb8;
	[tilespmem:$0x1EAC0] =	vst v63  }
0x60: {  	p1 =	sne.s32 s24, s12;
	s18 =	sand.u32 $0x7, s13;
	_ =	swait.ge [sflag:s22], $0x2000  }
0x61: {  	s9 =	smov.u32 s14;
	s20 =	sadd.s32 $0xA, s18;
	[sflag:s22] =	ssyncset.done $0x0  }
.Ltmp2:
0x62: {  	p2 =	sge.u32 s13, s4;
	[sflag:s22] =	ssyncadd.s32 $0xFFFFE000;
	(pc) =	sbr.rel @p1 .LBB2_4-.Ltmp2, $4  }
0x63: {  	s14 =	simm.s32 @!p2 $0x40;
	s13 =	sshll.u32 @!p2 s18, $0xD;
	_ =	swait.ge [sflag:s20], $0x2000  }
0x64: {  	s18 =	sadd.s32 @!p2 $0x1, s18;
	s13 =	sadd.s32 @!p2 $0x9C40, s13;
	[sflag:s20] =	ssyncset.done $0x0  }
0x65: {  	s23 =	sadd.s32 $0x800, s23;
	[sflag:s20] =	ssyncadd.s32 $0xFFFFE000;
	s20 =	simm.s32 @!p2 $0x80  }
0x66: {  	[tilespmem:s13], [sflag:s18] =	stream.strided.gather @!p2 [hbm4b:s19+s14], $0x2000, s20, s14, $0x38;
	[tilespmem:$0x1EAC0] =	vst v63  }
0x67: {  	s12 =	smov.u32 s9  }
.LBB2_6:
0x68: {  	s9 =	sadd.s32 $0x2, s12;
	s13 =	smov.u32 @p0 s25  }
0x69: {  	s11 =	sadd.s32 @p0 $0x9C40, s11;
	s8 =	sadd.s32 @p0 $0xA, s8;
	s9 =	sand.u32 $0x7, s9  }
0x6a: {  	[spmem:s2] =	stream.indirect.scatter.add.f32 @p0 [tilespmem:s11], [sflag:s8], $0x40, s13, s28, $0xb8;
	[tilespmem:$0x1EAC0] =	vst v63  }
0x6b: {  	s14 =	sadd.s32 $0x1, s9  }
0x6c: {  	s18 =	sadd.s32 $0x8, s12;
	_ =	swait.ge [sflag:s14], $0x2000  }
0x6d: {  	s12 =	sand.u32 $0x7, s18;
	[sflag:s14] =	ssyncset.done $0x0  }
0x6e: {  	p1 =	sge.u32 s18, s4;
	s19 =	sadd.s32 $0xA, s12;
	[sflag:s14] =	ssyncadd.s32 $0xFFFFE000  }
0x6f: {  	s18 =	simm.s32 @!p1 $0x40;
	_ =	swait.ge [sflag:s19], $0x2000  }
0x70: {  	s13 =	simm.s32 @!p1 $0x80;
	s14 =	sshll.u32 @!p1 s12, $0xD;
	[sflag:s19] =	ssyncset.done $0x0  }
0x71: {  	s12 =	sadd.s32 @!p1 $0x1, s12;
	s14 =	sadd.s32 @!p1 $0x9C40, s14;
	[sflag:s19] =	ssyncadd.s32 $0xFFFFE000  }
0x72: {  	[tilespmem:s14], [sflag:s12] =	stream.strided.gather @!p1 [hbm4b:s23+s18], $0x2000, s13, s18, $0x38;
	[tilespmem:$0x1EAC0] =	vst v63  }
0x73: {  	s11 =	sadd.s32 @p0 $0x80, s25;
	s20 =	sshll.u32 s9, $0xD;
	s12 =	smov.u32 s10  }
0x74: {  	s9 =	sadd.s32 $0xA, s9;
	s8 =	sadd.s32 $0x9C40, s20;
	s12 =	smov.u32 @p0 s11  }
0x75: {  	[spmem:s2] =	stream.indirect.scatter.add.f32 [tilespmem:s8], [sflag:s9], $0x40, s12, s28, $0xb8;
	[tilespmem:$0x1EAC0] =	vst v63  }
0x76: {  	_ =	swait.ge [sflag:s16], $0x2000  }
0x77: {  	[sflag:s16] =	ssyncset.done $0x0  }
0x78: {  	[sflag:s16] =	ssyncadd.s32 $0xFFFFE000  }
0x79: {  	_ =	swait.ge [sflag:s17], $0x2000  }
0x7a: {  	[sflag:s17] =	ssyncset.done $0x0  }
0x7b: {  	[sflag:s17] =	ssyncadd.s32 $0xFFFFE000  }
0x7c: {  	[bflag:$0x0] =	sbarrier.arrive $0xFFFF  }
0x7d: {  	s22 =	simm.s32 $0x10;
	s23 =	simm.s32 $0x8;
	s21 =	rddreg [dreg:$0xf]  }
0x7e: {  	[hbm:s21@s22], [sflag:s15] =	dma.strided [spmem:s6@s23], $0x1388, s3, $0x8   }
0x7f: {  	_ =	swait.ge [sflag:s0], $0x1388  }
0x80: {  	s5 =	sadd.s32 $0x1, s5;
	s25 =	rddreg [dreg:$0x10]  }
0x81: {  	p0 =	sne.s32 s5, s25  }
.Ltmp3:
0x82: {  	_ = 	snop;
	(pc) =	sbr.rel @p0 .LBB2_1-.Ltmp3, $4  }
.Ltmp4:
0x83: {  	_ = 	snop;
	(pc) =	sbr.rel @!p0 .LBB2_7-.Ltmp4, $4  }
0x84: {  	_ = 	snop  }
0x85: {  	[sflag:s0] =	ssyncset.done $0x0  }
0x86: {  	[sflag:s0] =	ssyncadd.s32 $0xFFFFEC78  }
0x87: {  	_ = 	snop  }
.LBB2_3:
.Ltmp5:
0x88: {  	(pc) =	sbr.rel .LBB2_6-.Ltmp5, $2  }
0x89: {  	_ =	sdelay $0x2  }
0x8a: {  	s12 =	simm.s32 $0x1;
	s25 =	smov.u32 s10  }
.LBB2_7:
0x8b: {  	_ =	sfence.sel $0x180000  }
0x8c: {  	[bflag:$0x0] =	sbarrier.arrive $0xFFFF  }
0x8d: {  	_ =	strace $0x90000047  }
0x8e: {  	s0 =	stileid.u32;
	[bflag:$0x2] =	sbarrier.arrive $0xFFFF  }
0x8f: {  	p0 =	sne.s32 s0, $0x0;
	s0 =	rddreg [dreg:$0x5]  }
0x90: {  	s0 =	sadd.s32 @!p0 $0x100000, s0  }
0x91: {  	[sflag:s0] =	ssyncadd.tile.s32 @!p0 $0x1;
	_ =	shalt  }
.Lfunc_end2:
_tile_overlayer_lowered:
.L_overlay_start_2:
0x92: {  	(tag) =	ssettag $0x2  }
0x93: {  	s0 =	rddreg [dreg:$0x0];
	s2 =	stileid.u32  }
0x94: {  	s1 =	rddreg [dreg:$0x1];
	p0 =	sne.s32 s2, $0x0  }
0x95: {  	s3 =	rddreg [dreg:$0x2];
	[bflag:$0x3] =	sbarrier.arrive $0xFFFF;
	s2 =	simm.s32 @!p0 $0x1C12  }
0x96: {  	[timem:s3], [sflag:s2] =	dma.local @!p0 [hbm:s0], s1  }
0x97: {  	s0 =	simm.s32 @!p0 $0x12  }
0x98: {  	_ =	swait.ge @!p0 [sflag:s0], s1  }
0x99: {  	s1 =	ssub.s32 @!p0 $0x0, s1;
	[sflag:s0] =	ssyncset.done @!p0 $0x0  }
0x9a: {  	[sflag:s0] =	ssyncadd.s32 @!p0 s1  }
0x9b: {  	[bflag:$0x3] =	sbarrier.arrive $0xFFFF  }
0x9c: {  	_ =	shalt  }

</sc_bundles>
